<compile_context>
chip_gen: v7x
topology: tpu7x:2x2x1
jax: 0.10.2.dev20260603
libtpu: 0.0.44.dev20260713+nightly
codegen_flags: <defaults>
</compile_context>

<pallas_src>
import functools

import jax
import jax.numpy as jnp
from jax import lax
from jax.experimental import pallas as pl
from jax.experimental.pallas import tpu as pltpu
from jax.experimental.pallas import tpu_sc as plsc

B = 16384
N_USERS = 1000000
EMB = 64
H1 = 128
H2 = 128

_EPS = 1e-16

_CHUNK = 512
_NCHUNKS = 1953
_ALIGNED = _NCHUNKS * _CHUNK
_LANES = 16


def _make_sc_gather():
    info = plsc.get_sparse_core_info()
    nc, ns = info.num_cores, info.num_subcores
    nw = nc * ns
    assert nw == 32
    npairs = 31

    mesh = plsc.VectorSubcoreMesh(core_axis_name="c", subcore_axis_name="s")

    @functools.partial(
        pl.kernel,
        mesh=mesh,
        compiler_params=pltpu.CompilerParams(needs_layout_passes=False),
        out_type=jax.ShapeDtypeStruct((B, 2 * EMB), jnp.float32),
        scratch_types=[
            pltpu.VMEM((B,), jnp.int32),
            pltpu.VMEM((B + _LANES,), jnp.int32),
            pltpu.VMEM((B + _LANES,), jnp.int32),
            pltpu.VMEM((EMB, _CHUNK), jnp.float32),
            pltpu.VMEM((EMB, _CHUNK), jnp.float32),
            pltpu.VMEM((_LANES,), jnp.int32),
            pltpu.VMEM((_LANES,), jnp.int32),
            pltpu.VMEM((_LANES, 2 * EMB), jnp.float32),
            pltpu.SemaphoreType.DMA,
            pltpu.SemaphoreType.DMA,
            pltpu.SemaphoreType.DMA,
        ],
    )
    def sc_gather(idx_hbm, table_hbm, out_hbm, idx_v, r_loc, p_loc,
                  cbuf0, cbuf1, cr_v, cp_v, rowbuf, sem0, sem1, ssem):
        wid = lax.axis_index("s") * nc + lax.axis_index("c")
        base_chunk = jnp.where(wid == 0, 0, 62 + (wid - 1) * 61)
        nchunks = jnp.where(wid == 0, 62, 61)
        lo = base_chunk * _CHUNK
        hi = lo + nchunks * _CHUNK

        iota = lax.iota(jnp.int32, _LANES)

        def start_chunk(c, buf, sem):
            @pl.when(c < nchunks)
            def _():
                pltpu.make_async_copy(
                    table_hbm.at[:, pl.ds((base_chunk + c) * _CHUNK, _CHUNK)],
                    buf, sem).start()

        def wait_chunk(buf, sem):
            pltpu.make_async_copy(table_hbm.at[:, pl.ds(0, _CHUNK)],
                                  buf, sem).wait()

        def process_chunk(c, buf):
            clo = (base_chunk + c) * _CHUNK

            def block_body(m, carry):
                rv = r_loc[pl.ds(m * _LANES, _LANES)]
                valid = (iota + m * _LANES) < cnt
                inm = (rv >= clo) & (rv < clo + _CHUNK) & valid
                mc = plsc.all_reduce_population_count(inm)[0]

                @pl.when(mc > 0)
                def _():
                    pv = p_loc[pl.ds(m * _LANES, _LANES)]
                    plsc.store_compressed(cr_v.at[pl.ds(0, _LANES)], rv, mask=inm)
                    plsc.store_compressed(cp_v.at[pl.ds(0, _LANES)], pv, mask=inm)

                    def fire_body(j, carry2):
                        jv = jnp.broadcast_to(j, (_LANES,))
                        col = plsc.load_gather(cr_v, [jv]) - clo
                        pos = plsc.load_gather(cp_v, [jv])[0]
                        for q in range(EMB // _LANES):
                            vals = plsc.load_gather(
                                buf, [iota + q * _LANES, col])
                            plsc.store_scatter(
                                rowbuf, [jv, iota + q * _LANES], vals)
                        pltpu.make_async_copy(
                            rowbuf.at[pl.ds(j, 1)],
                            out_hbm.at[pl.ds(pos, 1)],
                            ssem).start()
                        return carry2

                    lax.fori_loop(0, mc, fire_body, jnp.int32(0))

                    def drain_body(j, carry2):
                        pltpu.make_async_copy(
                            rowbuf.at[pl.ds(0, 1)],
                            out_hbm.at[pl.ds(0, 1)],
                            ssem).wait()
                        return carry2

                    lax.fori_loop(0, mc, drain_body, jnp.int32(0))
                return carry

            lax.fori_loop(0, nblocks, block_body, jnp.int32(0))

        start_chunk(jnp.int32(0), cbuf0, sem0)
        start_chunk(jnp.int32(1), cbuf1, sem1)
        pltpu.sync_copy(idx_hbm, idx_v)

        def scan_body(k, cnt):
            data = []
            for u in range(4):
                rv = idx_v[pl.ds((4 * k + u) * _LANES, _LANES)]
                mask = (rv >= lo) & (rv < hi)
                n = plsc.all_reduce_population_count(mask)[0]
                data.append((rv, mask, n, (4 * k + u) * _LANES))
            off = cnt
            for rv, mask, n, pbase in data:
                plsc.store_compressed(r_loc.at[pl.ds(off, _LANES)], rv,
                                      mask=mask)
                plsc.store_compressed(p_loc.at[pl.ds(off, _LANES)],
                                      iota + pbase, mask=mask)
                off = off + n
            return off

        cnt = lax.fori_loop(0, B // (4 * _LANES), scan_body, jnp.int32(0))
        nblocks = (cnt + _LANES - 1) // _LANES

        def pair_body(i, carry):
            c0 = 2 * i
            c1 = 2 * i + 1
            wait_chunk(cbuf0, sem0)
            process_chunk(c0, cbuf0)
            start_chunk(c0 + 2, cbuf0, sem0)

            @pl.when(c1 < nchunks)
            def _():
                wait_chunk(cbuf1, sem1)
                process_chunk(c1, cbuf1)
            start_chunk(c1 + 2, cbuf1, sem1)
            return carry

        lax.fori_loop(0, npairs, pair_body, jnp.int32(0))

    return sc_gather


_sc_gather = _make_sc_gather()


_TILE = 4096


def _mlp_body(emb_ref, user_ref, tail_ref, w1_ref, b1_ref, w2_ref, b2_ref,
              w3_ref, b3_ref, out_ref):
    u = user_ref[...]
    mask = (u < _ALIGNED).astype(jnp.float32)
    onehot = ((u - _ALIGNED) ==
              lax.broadcasted_iota(jnp.int32, (_TILE, EMB), 1))
    fix = jnp.dot(onehot.astype(jnp.float32), tail_ref[...],
                  preferred_element_type=jnp.float32)
    x = emb_ref[:, :EMB] * mask + fix
    norm = jnp.sqrt(jnp.sum(x * x, axis=-1, keepdims=True))
    x = x / jnp.maximum(norm, _EPS)
    x = jnp.dot(x, w1_ref[...], preferred_element_type=jnp.float32) + b1_ref[...]
    x = x * jax.nn.sigmoid(x)
    x = jnp.dot(x, w2_ref[...], preferred_element_type=jnp.float32) + b2_ref[...]
    x = x * jax.nn.sigmoid(x)
    x = jnp.dot(x, w3_ref[...], preferred_element_type=jnp.float32) + b3_ref[...]
    norm = jnp.sqrt(jnp.sum(x * x, axis=-1, keepdims=True))
    out_ref[...] = x / jnp.maximum(norm, _EPS)


def _tc_tower(emb128, user_col, tail, W1, b1, W2, b2, W3, b3):
    grid = (B // _TILE,)
    full = lambda shape: pl.BlockSpec(shape, lambda i: (0, 0))
    return pl.pallas_call(
        _mlp_body,
        grid=grid,
        in_specs=[
            pl.BlockSpec((_TILE, 2 * EMB), lambda i: (i, 0)),
            pl.BlockSpec((_TILE, 1), lambda i: (i, 0)),
            full((EMB, EMB)),
            full((EMB, H1)),
            full((1, H1)),
            full((H1, H2)),
            full((1, H2)),
            full((H2, EMB)),
            full((1, EMB)),
        ],
        out_specs=pl.BlockSpec((_TILE, EMB), lambda i: (i, 0)),
        out_shape=jax.ShapeDtypeStruct((B, EMB), jnp.float32),
        compiler_params=pltpu.CompilerParams(
            dimension_semantics=("parallel",),
        ),
    )(emb128, user_col, tail, W1, b1.reshape(1, H1), W2, b2.reshape(1, H2),
      W3, b3.reshape(1, EMB))


def kernel(user, table, W1, b1, W2, b2, W3, b3):
    user = user.astype(jnp.int32)
    table_t = table.T
    emb128 = _sc_gather(user, table_t)
    tail = lax.slice(table, (_ALIGNED, 0), (N_USERS, EMB))
    return _tc_tower(emb128, user.reshape(B, 1), tail, W1, b1, W2, b2, W3, b3)

# --- scband reference (transcript-rebuilt; emitter-appended) ---
"""Pipeline reference for scband-user-id-tower-56770877718673 (READ-ONLY COPY).

The authoritative reference and input builder live on the scoring server;
editing this copy changes nothing except your own understanding.
"""

import jax, jax.numpy as jnp
import numpy as np

N_USERS = 1000000
EMB = 64
H1 = 128
H2 = 128
B = 16384


def _l2norm(x, eps=1e-16):
    # matches torch.nn.functional.normalize(p=2, dim=-1, eps=eps)
    n = jnp.linalg.norm(x, ord=2, axis=-1, keepdims=True)
    return x / jnp.maximum(n, eps)


def setup_inputs(seed: int = 0) -> dict:
    key = jax.random.key(seed)
    ks = jax.random.split(key, 8)
    user = jax.random.randint(ks[0], (B,), 0, N_USERS, dtype=jnp.int64 if jax.config.jax_enable_x64 else jnp.int32)
    table = jax.random.normal(ks[1], (N_USERS, EMB), dtype=jnp.float32) * 0.02
    W1 = jax.random.normal(ks[2], (EMB, H1), dtype=jnp.float32) * 0.05
    b1 = jnp.zeros((H1,), dtype=jnp.float32)
    W2 = jax.random.normal(ks[3], (H1, H2), dtype=jnp.float32) * 0.05
    b2 = jnp.zeros((H2,), dtype=jnp.float32)
    W3 = jax.random.normal(ks[4], (H2, EMB), dtype=jnp.float32) * 0.05
    b3 = jnp.zeros((EMB,), dtype=jnp.float32)
    return {"user": user, "table": table, "W1": W1, "b1": b1, "W2": W2, "b2": b2, "W3": W3, "b3": b3}


def reference(user, table, W1, b1, W2, b2, W3, b3):
    # id_embedding: nn.Embedding + L2NormalizationLayer(dim=-1)
    emb = jnp.take(table, user, axis=0)
    emb = _l2norm(emb)
    # build_mlp: Linear -> SiLU -> Linear -> SiLU -> Linear -> L2Norm
    x = jax.nn.silu(emb @ W1 + b1)
    x = jax.nn.silu(x @ W2 + b2)
    x = x @ W3 + b3
    return _l2norm(x)

if __name__ == "__main__":
    import jax
    _d = setup_inputs()
    print(jax.jit(kernel)(*tuple(_d.values())))

</pallas_src>

<mosaic_0001>
#map = affine_map<(d0, d1) -> (0)>
#map1 = affine_map<(d0, d1) -> (0, 0)>
module attributes {stable_mosaic.version = 14 : i64} {
  func.func @sc_gather(%arg0: i32, %arg1: i32, %arg2: memref<16384xi32, #tpu.memory_space<hbm>>, %arg3: memref<64x1000000xf32, #tpu.memory_space<hbm>>, %arg4: memref<16384x128xf32, #tpu.memory_space<hbm>>, %arg5: memref<16384xi32, #tpu.memory_space<vmem>>, %arg6: memref<16400xi32, #tpu.memory_space<vmem>>, %arg7: memref<16400xi32, #tpu.memory_space<vmem>>, %arg8: memref<64x512xf32, #tpu.memory_space<vmem>>, %arg9: memref<64x512xf32, #tpu.memory_space<vmem>>, %arg10: memref<16xi32, #tpu.memory_space<vmem>>, %arg11: memref<16xi32, #tpu.memory_space<vmem>>, %arg12: memref<16x128xf32, #tpu.memory_space<vmem>>, %arg13: memref<!tpu.dma_semaphore, #tpu.memory_space<semaphore_mem>>, %arg14: memref<!tpu.dma_semaphore, #tpu.memory_space<semaphore_mem>>, %arg15: memref<!tpu.dma_semaphore, #tpu.memory_space<semaphore_mem>>) attributes {dimension_semantics = [#tpu.dimension_semantics<core_parallel>, #tpu.dimension_semantics<subcore_parallel>], iteration_bounds = array<i64: 2, 16>, scalar_prefetch = 0 : i64, scratch_operands = 11 : i64, tpu.core_type = #tpu.core_type<sc_vector_subcore>, window_params = [{transform_indices = #map}, {transform_indices = #map1}, {transform_indices = #map1}]} {
    %mul3A = arith.constant 2 : i32
    %mul3A_0 = arith.muli %arg1, %mul3A : i32
    %add3A = arith.addi %mul3A_0, %arg0 : i32
    %eq3A = arith.constant 0 : i32
    %eq3A_1 = arith.cmpi eq, %add3A, %eq3A : i32
    %sub3A = arith.constant 1 : i32
    %sub3A_2 = arith.subi %add3A, %sub3A : i32
    %mul3A_3 = arith.constant 61 : i32
    %mul3A_4 = arith.muli %sub3A_2, %mul3A_3 : i32
    %add3A_5 = arith.constant 62 : i32
    %add3A_6 = arith.addi %add3A_5, %mul3A_4 : i32
    %jit3A = arith.constant 0 : i32
    %select_n3A = arith.select %eq3A_1, %jit3A, %add3A_6 : i32
    %eq3A_7 = arith.constant 0 : i32
    %eq3A_8 = arith.cmpi eq, %add3A, %eq3A_7 : i32
    %jit3A_9 = arith.constant 62 : i32
    %jit3A_10 = arith.constant 61 : i32
    %select_n3A_11 = arith.select %eq3A_8, %jit3A_9, %jit3A_10 : i32
    %mul3A_12 = arith.constant 512 : i32
    %mul3A_13 = arith.muli %select_n3A, %mul3A_12 : i32
    %mul3A_14 = arith.constant 512 : i32
    %mul3A_15 = arith.muli %select_n3A_11, %mul3A_14 : i32
    %add3A_16 = arith.addi %mul3A_13, %mul3A_15 : i32
    %iota3A = tpu.iota {dimensions = array<i32: 0>} : vector<16xi32>
    %lt3A = arith.constant 0 : i32
    %lt3A_17 = arith.cmpi slt, %lt3A, %select_n3A_11 : i32
    %convert_element_type3A = arith.extui %lt3A_17 : i1 to i32
    %cond3A = arith.constant 0 : i32
    %cond3A_18 = arith.constant 0 : i32
    %cond3A_19 = arith.cmpi ne, %convert_element_type3A, %cond3A_18 : i32
    scf.if %cond3A_19 {
      %add3A_61 = arith.addi %select_n3A, %cond3A : i32
      %mul3A_62 = arith.constant 512 : i32
      %mul3A_63 = arith.muli %add3A_61, %mul3A_62 : i32
      %dma_start3A = arith.constant 0 : i32
      %dma_start3A_64 = tpu.memref_slice %arg3[%dma_start3A, %mul3A_63] : memref<64x1000000xf32, #tpu.memory_space<hbm>> -> memref<64x512xf32, #tpu.memory_space<hbm>>
      %dma_start3A_65 = arith.constant 0 : i32
      %dma_start3A_66 = tpu.memref_slice %arg3[%dma_start3A_65, %mul3A_63] : memref<64x1000000xf32, #tpu.memory_space<hbm>> -> memref<64x512xf32, #tpu.memory_space<hbm>>
      tpu.enqueue_dma source(%dma_start3A_66 : memref<64x512xf32, #tpu.memory_space<hbm>>) target(%arg8 : memref<64x512xf32, #tpu.memory_space<vmem>>) target_semaphore(%arg13 : memref<!tpu.dma_semaphore, #tpu.memory_space<semaphore_mem>>)
    } else {
    }
    %lt3A_20 = arith.constant 1 : i32
    %lt3A_21 = arith.cmpi slt, %lt3A_20, %select_n3A_11 : i32
    %convert_element_type3A_22 = arith.extui %lt3A_21 : i1 to i32
    %cond3A_23 = arith.constant 1 : i32
    %cond3A_24 = arith.constant 0 : i32
    %cond3A_25 = arith.cmpi ne, %convert_element_type3A_22, %cond3A_24 : i32
    scf.if %cond3A_25 {
      %add3A_61 = arith.addi %select_n3A, %cond3A_23 : i32
      %mul3A_62 = arith.constant 512 : i32
      %mul3A_63 = arith.muli %add3A_61, %mul3A_62 : i32
      %dma_start3A = arith.constant 0 : i32
      %dma_start3A_64 = tpu.memref_slice %arg3[%dma_start3A, %mul3A_63] : memref<64x1000000xf32, #tpu.memory_space<hbm>> -> memref<64x512xf32, #tpu.memory_space<hbm>>
      %dma_start3A_65 = arith.constant 0 : i32
      %dma_start3A_66 = tpu.memref_slice %arg3[%dma_start3A_65, %mul3A_63] : memref<64x1000000xf32, #tpu.memory_space<hbm>> -> memref<64x512xf32, #tpu.memory_space<hbm>>
      tpu.enqueue_dma source(%dma_start3A_66 : memref<64x512xf32, #tpu.memory_space<hbm>>) target(%arg9 : memref<64x512xf32, #tpu.memory_space<vmem>>) target_semaphore(%arg14 : memref<!tpu.dma_semaphore, #tpu.memory_space<semaphore_mem>>)
    } else {
    }
    "tpu.region"() ({
      %run_scoped3A = tpu.sem_alloc : memref<!tpu.dma_semaphore, #tpu.memory_space<semaphore_mem>>
      tpu.enqueue_dma source(%arg2 : memref<16384xi32, #tpu.memory_space<hbm>>) target(%arg5 : memref<16384xi32, #tpu.memory_space<vmem>>) target_semaphore(%run_scoped3A : memref<!tpu.dma_semaphore, #tpu.memory_space<semaphore_mem>>)
      tpu.wait_dma2 semaphore(%run_scoped3A : memref<!tpu.dma_semaphore, #tpu.memory_space<semaphore_mem>>) src(%arg2 : memref<16384xi32, #tpu.memory_space<hbm>>) dst(%arg5 : memref<16384xi32, #tpu.memory_space<vmem>>)
      tpu.yield
    }) : () -> ()
    %scan3A = arith.constant 0 : i32
    %scan3A_26 = arith.constant 0 : i32
    %scan3A_27 = arith.constant 256 : i32
    %scan3A_28 = arith.addi %scan3A_26, %scan3A_27 : i32
    %scan3A_29 = arith.constant 1 : i32
    %scan3A_30 = scf.for %scan3A_61 = %scan3A_26 to %scan3A_28 step %scan3A_29 iter_args(%scan3A_62 = %scan3A) -> (i32)  : i32 {
      %mul3A_63 = arith.constant 4 : i32
      %mul3A_64 = arith.muli %mul3A_63, %scan3A_61 : i32
      %add3A_65 = arith.constant 0 : i32
      %add3A_66 = arith.addi %mul3A_64, %add3A_65 : i32
      %mul3A_67 = arith.constant 16 : i32
      %mul3A_68 = arith.muli %add3A_66, %mul3A_67 : i32
      %get3A = arith.index_cast %mul3A_68 : i32 to index
      %get3A_69 = tpu.vector_load %arg5[%get3A] {strides = array<i32>} : memref<16384xi32, #tpu.memory_space<vmem>>, vector<16xi32>,
      %ge3A = vector.broadcast %mul3A_13 : i32 to vector<16xi32>
      %ge3A_70 = arith.cmpi sge, %get3A_69, %ge3A : vector<16xi32>
      %lt3A_71 = vector.broadcast %add3A_16 : i32 to vector<16xi32>
      %lt3A_72 = arith.cmpi slt, %get3A_69, %lt3A_71 : vector<16xi32>
      %and3A_73 = arith.andi %ge3A_70, %lt3A_72 : vector<16xi1>
      %all_reduce_population_count3A = tpu.all_reduce %and3A_73 {dim = 0 : i64, kind = #tpu.reduction_kind<sum>} : vector<16xi1> -> vector<16xi32>
      %slice3A = vector.extract_strided_slice %all_reduce_population_count3A {offsets = [0], sizes = [1], strides = [1]} : vector<16xi32> to vector<1xi32>
      %squeeze3A = vector.extract %slice3A[0] : i32 from vector<1xi32>
      %mul3A_74 = arith.constant 4 : i32
      %mul3A_75 = arith.muli %mul3A_74, %scan3A_61 : i32
      %add3A_76 = arith.constant 0 : i32
      %add3A_77 = arith.addi %mul3A_75, %add3A_76 : i32
      %mul3A_78 = arith.constant 16 : i32
      %mul3A_79 = arith.muli %add3A_77, %mul3A_78 : i32
      %mul3A_80 = arith.constant 4 : i32
      %mul3A_81 = arith.muli %mul3A_80, %scan3A_61 : i32
      %add3A_82 = arith.constant 1 : i32
      %add3A_83 = arith.addi %mul3A_81, %add3A_82 : i32
      %mul3A_84 = arith.constant 16 : i32
      %mul3A_85 = arith.muli %add3A_83, %mul3A_84 : i32
      %get3A_86 = arith.index_cast %mul3A_85 : i32 to index
      %get3A_87 = tpu.vector_load %arg5[%get3A_86] {strides = array<i32>} : memref<16384xi32, #tpu.memory_space<vmem>>, vector<16xi32>,
      %ge3A_88 = vector.broadcast %mul3A_13 : i32 to vector<16xi32>
      %ge3A_89 = arith.cmpi sge, %get3A_87, %ge3A_88 : vector<16xi32>
      %lt3A_90 = vector.broadcast %add3A_16 : i32 to vector<16xi32>
      %lt3A_91 = arith.cmpi slt, %get3A_87, %lt3A_90 : vector<16xi32>
      %and3A_92 = arith.andi %ge3A_89, %lt3A_91 : vector<16xi1>
      %all_reduce_population_count3A_93 = tpu.all_reduce %and3A_92 {dim = 0 : i64, kind = #tpu.reduction_kind<sum>} : vector<16xi1> -> vector<16xi32>
      %slice3A_94 = vector.extract_strided_slice %all_reduce_population_count3A_93 {offsets = [0], sizes = [1], strides = [1]} : vector<16xi32> to vector<1xi32>
      %squeeze3A_95 = vector.extract %slice3A_94[0] : i32 from vector<1xi32>
      %mul3A_96 = arith.constant 4 : i32
      %mul3A_97 = arith.muli %mul3A_96, %scan3A_61 : i32
      %add3A_98 = arith.constant 1 : i32
      %add3A_99 = arith.addi %mul3A_97, %add3A_98 : i32
      %mul3A_100 = arith.constant 16 : i32
      %mul3A_101 = arith.muli %add3A_99, %mul3A_100 : i32
      %mul3A_102 = arith.constant 4 : i32
      %mul3A_103 = arith.muli %mul3A_102, %scan3A_61 : i32
      %add3A_104 = arith.constant 2 : i32
      %add3A_105 = arith.addi %mul3A_103, %add3A_104 : i32
      %mul3A_106 = arith.constant 16 : i32
      %mul3A_107 = arith.muli %add3A_105, %mul3A_106 : i32
      %get3A_108 = arith.index_cast %mul3A_107 : i32 to index
      %get3A_109 = tpu.vector_load %arg5[%get3A_108] {strides = array<i32>} : memref<16384xi32, #tpu.memory_space<vmem>>, vector<16xi32>,
      %ge3A_110 = vector.broadcast %mul3A_13 : i32 to vector<16xi32>
      %ge3A_111 = arith.cmpi sge, %get3A_109, %ge3A_110 : vector<16xi32>
      %lt3A_112 = vector.broadcast %add3A_16 : i32 to vector<16xi32>
      %lt3A_113 = arith.cmpi slt, %get3A_109, %lt3A_112 : vector<16xi32>
      %and3A_114 = arith.andi %ge3A_111, %lt3A_113 : vector<16xi1>
      %all_reduce_population_count3A_115 = tpu.all_reduce %and3A_114 {dim = 0 : i64, kind = #tpu.reduction_kind<sum>} : vector<16xi1> -> vector<16xi32>
      %slice3A_116 = vector.extract_strided_slice %all_reduce_population_count3A_115 {offsets = [0], sizes = [1], strides = [1]} : vector<16xi32> to vector<1xi32>
      %squeeze3A_117 = vector.extract %slice3A_116[0] : i32 from vector<1xi32>
      %mul3A_118 = arith.constant 4 : i32
      %mul3A_119 = arith.muli %mul3A_118, %scan3A_61 : i32
      %add3A_120 = arith.constant 2 : i32
      %add3A_121 = arith.addi %mul3A_119, %add3A_120 : i32
      %mul3A_122 = arith.constant 16 : i32
      %mul3A_123 = arith.muli %add3A_121, %mul3A_122 : i32
      %mul3A_124 = arith.constant 4 : i32
      %mul3A_125 = arith.muli %mul3A_124, %scan3A_61 : i32
      %add3A_126 = arith.constant 3 : i32
      %add3A_127 = arith.addi %mul3A_125, %add3A_126 : i32
      %mul3A_128 = arith.constant 16 : i32
      %mul3A_129 = arith.muli %add3A_127, %mul3A_128 : i32
      %get3A_130 = arith.index_cast %mul3A_129 : i32 to index
      %get3A_131 = tpu.vector_load %arg5[%get3A_130] {strides = array<i32>} : memref<16384xi32, #tpu.memory_space<vmem>>, vector<16xi32>,
      %ge3A_132 = vector.broadcast %mul3A_13 : i32 to vector<16xi32>
      %ge3A_133 = arith.cmpi sge, %get3A_131, %ge3A_132 : vector<16xi32>
      %lt3A_134 = vector.broadcast %add3A_16 : i32 to vector<16xi32>
      %lt3A_135 = arith.cmpi slt, %get3A_131, %lt3A_134 : vector<16xi32>
      %and3A_136 = arith.andi %ge3A_133, %lt3A_135 : vector<16xi1>
      %all_reduce_population_count3A_137 = tpu.all_reduce %and3A_136 {dim = 0 : i64, kind = #tpu.reduction_kind<sum>} : vector<16xi1> -> vector<16xi32>
      %slice3A_138 = vector.extract_strided_slice %all_reduce_population_count3A_137 {offsets = [0], sizes = [1], strides = [1]} : vector<16xi32> to vector<1xi32>
      %squeeze3A_139 = vector.extract %slice3A_138[0] : i32 from vector<1xi32>
      %mul3A_140 = arith.constant 4 : i32
      %mul3A_141 = arith.muli %mul3A_140, %scan3A_61 : i32
      %add3A_142 = arith.constant 3 : i32
      %add3A_143 = arith.addi %mul3A_141, %add3A_142 : i32
      %mul3A_144 = arith.constant 16 : i32
      %mul3A_145 = arith.muli %add3A_143, %mul3A_144 : i32
      %swap3A = arith.index_cast %scan3A_62 : i32 to index
      %swap3A_146 = tpu.vector_load %arg6[%swap3A] masked %and3A_73 {strides = array<i32>} : memref<16400xi32, #tpu.memory_space<vmem>>, vector<16xi32>, vector<16xi1>
      tpu.vector_store %arg6[%swap3A], %get3A_69 masked %and3A_73 {strides = array<i32>} : memref<16400xi32, #tpu.memory_space<vmem>>, vector<16xi32>, vector<16xi1>
      %add3A_147 = vector.broadcast %mul3A_79 : i32 to vector<16xi32>
      %add3A_148 = arith.addi %iota3A, %add3A_147 : vector<16xi32>
      %swap3A_149 = arith.index_cast %scan3A_62 : i32 to index
      %swap3A_150 = tpu.vector_load %arg7[%swap3A_149] masked %and3A_73 {strides = array<i32>} : memref<16400xi32, #tpu.memory_space<vmem>>, vector<16xi32>, vector<16xi1>
      tpu.vector_store %arg7[%swap3A_149], %add3A_148 masked %and3A_73 {strides = array<i32>} : memref<16400xi32, #tpu.memory_space<vmem>>, vector<16xi32>, vector<16xi1>
      %add3A_151 = arith.addi %scan3A_62, %squeeze3A : i32
      %swap3A_152 = arith.index_cast %add3A_151 : i32 to index
      %swap3A_153 = tpu.vector_load %arg6[%swap3A_152] masked %and3A_92 {strides = array<i32>} : memref<16400xi32, #tpu.memory_space<vmem>>, vector<16xi32>, vector<16xi1>
      tpu.vector_store %arg6[%swap3A_152], %get3A_87 masked %and3A_92 {strides = array<i32>} : memref<16400xi32, #tpu.memory_space<vmem>>, vector<16xi32>, vector<16xi1>
      %add3A_154 = vector.broadcast %mul3A_101 : i32 to vector<16xi32>
      %add3A_155 = arith.addi %iota3A, %add3A_154 : vector<16xi32>
      %swap3A_156 = arith.index_cast %add3A_151 : i32 to index
      %swap3A_157 = tpu.vector_load %arg7[%swap3A_156] masked %and3A_92 {strides = array<i32>} : memref<16400xi32, #tpu.memory_space<vmem>>, vector<16xi32>, vector<16xi1>
      tpu.vector_store %arg7[%swap3A_156], %add3A_155 masked %and3A_92 {strides = array<i32>} : memref<16400xi32, #tpu.memory_space<vmem>>, vector<16xi32>, vector<16xi1>
      %add3A_158 = arith.addi %add3A_151, %squeeze3A_95 : i32
      %swap3A_159 = arith.index_cast %add3A_158 : i32 to index
      %swap3A_160 = tpu.vector_load %arg6[%swap3A_159] masked %and3A_114 {strides = array<i32>} : memref<16400xi32, #tpu.memory_space<vmem>>, vector<16xi32>, vector<16xi1>
      tpu.vector_store %arg6[%swap3A_159], %get3A_109 masked %and3A_114 {strides = array<i32>} : memref<16400xi32, #tpu.memory_space<vmem>>, vector<16xi32>, vector<16xi1>
      %add3A_161 = vector.broadcast %mul3A_123 : i32 to vector<16xi32>
      %add3A_162 = arith.addi %iota3A, %add3A_161 : vector<16xi32>
      %swap3A_163 = arith.index_cast %add3A_158 : i32 to index
      %swap3A_164 = tpu.vector_load %arg7[%swap3A_163] masked %and3A_114 {strides = array<i32>} : memref<16400xi32, #tpu.memory_space<vmem>>, vector<16xi32>, vector<16xi1>
      tpu.vector_store %arg7[%swap3A_163], %add3A_162 masked %and3A_114 {strides = array<i32>} : memref<16400xi32, #tpu.memory_space<vmem>>, vector<16xi32>, vector<16xi1>
      %add3A_165 = arith.addi %add3A_158, %squeeze3A_117 : i32
      %swap3A_166 = arith.index_cast %add3A_165 : i32 to index
      %swap3A_167 = tpu.vector_load %arg6[%swap3A_166] masked %and3A_136 {strides = array<i32>} : memref<16400xi32, #tpu.memory_space<vmem>>, vector<16xi32>, vector<16xi1>
      tpu.vector_store %arg6[%swap3A_166], %get3A_131 masked %and3A_136 {strides = array<i32>} : memref<16400xi32, #tpu.memory_space<vmem>>, vector<16xi32>, vector<16xi1>
      %add3A_168 = vector.broadcast %mul3A_145 : i32 to vector<16xi32>
      %add3A_169 = arith.addi %iota3A, %add3A_168 : vector<16xi32>
      %swap3A_170 = arith.index_cast %add3A_165 : i32 to index
      %swap3A_171 = tpu.vector_load %arg7[%swap3A_170] masked %and3A_136 {strides = array<i32>} : memref<16400xi32, #tpu.memory_space<vmem>>, vector<16xi32>, vector<16xi1>
      tpu.vector_store %arg7[%swap3A_170], %add3A_169 masked %and3A_136 {strides = array<i32>} : memref<16400xi32, #tpu.memory_space<vmem>>, vector<16xi32>, vector<16xi1>
      %add3A_172 = arith.addi %add3A_165, %squeeze3A_139 : i32
      scf.yield %add3A_172 : i32
    }
    %scan3A_31 = arith.constant 256 : i32
    %add3A_32 = arith.constant 16 : i32
    %add3A_33 = arith.addi %scan3A_30, %add3A_32 : i32
    %sub3A_34 = arith.constant 1 : i32
    %sub3A_35 = arith.subi %add3A_33, %sub3A_34 : i32
    %jit3A_36 = arith.constant 16 : i32
    %div3A = arith.divsi %sub3A_35, %jit3A_36 : i32
    %sign3A = arith.constant 0 : i32
    %sign3A_37 = arith.cmpi sgt, %sub3A_35, %sign3A : i32
    %sign3A_38 = arith.extui %sign3A_37 : i1 to i32
    %sign3A_39 = arith.constant 0 : i32
    %sign3A_40 = arith.cmpi slt, %sub3A_35, %sign3A_39 : i32
    %sign3A_41 = arith.extui %sign3A_40 : i1 to i32
    %sign3A_42 = arith.subi %sign3A_38, %sign3A_41 : i32
    %sign3A_43 = arith.constant 0 : i32
    %sign3A_44 = arith.cmpi sgt, %jit3A_36, %sign3A_43 : i32
    %sign3A_45 = arith.extui %sign3A_44 : i1 to i32
    %sign3A_46 = arith.constant 0 : i32
    %sign3A_47 = arith.cmpi slt, %jit3A_36, %sign3A_46 : i32
    %sign3A_48 = arith.extui %sign3A_47 : i1 to i32
    %sign3A_49 = arith.subi %sign3A_45, %sign3A_48 : i32
    %ne3A = arith.cmpi ne, %sign3A_42, %sign3A_49 : i32
    %rem3A = arith.remsi %sub3A_35, %jit3A_36 : i32
    %ne3A_50 = arith.constant 0 : i32
    %ne3A_51 = arith.cmpi ne, %rem3A, %ne3A_50 : i32
    %and3A = arith.andi %ne3A, %ne3A_51 : i1
    %sub3A_52 = arith.constant 1 : i32
    %sub3A_53 = arith.subi %div3A, %sub3A_52 : i32
    %select_n3A_54 = arith.select %and3A, %sub3A_53, %div3A : i32
    %scan3A_55 = arith.constant 0 : i32
    %scan3A_56 = arith.constant 0 : i32
    %scan3A_57 = arith.constant 31 : i32
    %scan3A_58 = arith.addi %scan3A_56, %scan3A_57 : i32
    %scan3A_59 = arith.constant 1 : i32
    scf.for %scan3A_61 = %scan3A_56 to %scan3A_58 step %scan3A_59  : i32 {
      %mul3A_62 = arith.constant 2 : i32
      %mul3A_63 = arith.muli %mul3A_62, %scan3A_61 : i32
      %mul3A_64 = arith.constant 2 : i32
      %mul3A_65 = arith.muli %mul3A_64, %scan3A_61 : i32
      %add3A_66 = arith.constant 1 : i32
      %add3A_67 = arith.addi %mul3A_65, %add3A_66 : i32
      %dma_wait3A = arith.constant 0 : i32
      %dma_wait3A_68 = arith.constant 0 : i32
      %dma_wait3A_69 = tpu.memref_slice %arg3[%dma_wait3A, %dma_wait3A_68] : memref<64x1000000xf32, #tpu.memory_space<hbm>> -> memref<64x512xf32, #tpu.memory_space<hbm>>
      %dma_wait3A_70 = arith.constant 0 : i32
      %dma_wait3A_71 = arith.constant 0 : i32
      %dma_wait3A_72 = tpu.memref_slice %arg3[%dma_wait3A_70, %dma_wait3A_71] : memref<64x1000000xf32, #tpu.memory_space<hbm>> -> memref<64x512xf32, #tpu.memory_space<hbm>>
      tpu.wait_dma2 semaphore(%arg13 : memref<!tpu.dma_semaphore, #tpu.memory_space<semaphore_mem>>) src(%dma_wait3A_72 : memref<64x512xf32, #tpu.memory_space<hbm>>) dst(%arg8 : memref<64x512xf32, #tpu.memory_space<vmem>>)
      %add3A_73 = arith.addi %select_n3A, %mul3A_63 : i32
      %mul3A_74 = arith.constant 512 : i32
      %mul3A_75 = arith.muli %add3A_73, %mul3A_74 : i32
      %while3A = arith.constant 0 : i32
      %while3A_76 = arith.constant 0 : i32
      %while3A_77 = arith.subi %select_n3A_54, %while3A_76 : i32
      %while3A_78 = arith.addi %while3A_76, %while3A_77 : i32
      %while3A_79 = arith.constant 1 : i32
      %while3A_80 = arith.divsi %while3A_77, %while3A_79 : i32
      %while3A_81 = arith.muli %while3A_80, %while3A_79 : i32
      %while3A_82 = arith.addi %while3A_76, %while3A_81 : i32
      %while3A_83 = arith.constant 1 : i32
      scf.for %while3A_101 = %while3A_76 to %while3A_82 step %while3A_83  : i32 {
        %mul3A_102 = arith.constant 16 : i32
        %mul3A_103 = arith.muli %while3A_101, %mul3A_102 : i32
        %get3A = arith.index_cast %mul3A_103 : i32 to index
        %get3A_104 = tpu.vector_load %arg6[%get3A] {strides = array<i32>} : memref<16400xi32, #tpu.memory_space<vmem>>, vector<16xi32>,
        %mul3A_105 = arith.constant 16 : i32
        %mul3A_106 = arith.muli %while3A_101, %mul3A_105 : i32
        %add3A_107 = vector.broadcast %mul3A_106 : i32 to vector<16xi32>
        %add3A_108 = arith.addi %iota3A, %add3A_107 : vector<16xi32>
        %lt3A_109 = vector.broadcast %scan3A_30 : i32 to vector<16xi32>
        %lt3A_110 = arith.cmpi slt, %add3A_108, %lt3A_109 : vector<16xi32>
        %ge3A = vector.broadcast %mul3A_75 : i32 to vector<16xi32>
        %ge3A_111 = arith.cmpi sge, %get3A_104, %ge3A : vector<16xi32>
        %add3A_112 = arith.constant 512 : i32
        %add3A_113 = arith.addi %mul3A_75, %add3A_112 : i32
        %lt3A_114 = vector.broadcast %add3A_113 : i32 to vector<16xi32>
        %lt3A_115 = arith.cmpi slt, %get3A_104, %lt3A_114 : vector<16xi32>
        %and3A_116 = arith.andi %ge3A_111, %lt3A_115 : vector<16xi1>
        %and3A_117 = arith.andi %and3A_116, %lt3A_110 : vector<16xi1>
        %all_reduce_population_count3A = tpu.all_reduce %and3A_117 {dim = 0 : i64, kind = #tpu.reduction_kind<sum>} : vector<16xi1> -> vector<16xi32>
        %slice3A = vector.extract_strided_slice %all_reduce_population_count3A {offsets = [0], sizes = [1], strides = [1]} : vector<16xi32> to vector<1xi32>
        %squeeze3A = vector.extract %slice3A[0] : i32 from vector<1xi32>
        %gt3A = arith.constant 0 : i32
        %gt3A_118 = arith.cmpi sgt, %squeeze3A, %gt3A : i32
        %convert_element_type3A_119 = arith.extui %gt3A_118 : i1 to i32
        %cond3A_120 = arith.constant 0 : i32
        %cond3A_121 = arith.cmpi ne, %convert_element_type3A_119, %cond3A_120 : i32
        scf.if %cond3A_121 {
          %mul3A_122 = arith.constant 16 : i32
          %mul3A_123 = arith.muli %while3A_101, %mul3A_122 : i32
          %get3A_124 = arith.index_cast %mul3A_123 : i32 to index
          %get3A_125 = tpu.vector_load %arg7[%get3A_124] {strides = array<i32>} : memref<16400xi32, #tpu.memory_space<vmem>>, vector<16xi32>,
          %swap3A = arith.constant 0 : index
          %swap3A_126 = tpu.vector_load %arg10[%swap3A] masked %and3A_117 {strides = array<i32>} : memref<16xi32, #tpu.memory_space<vmem>>, vector<16xi32>, vector<16xi1>
          tpu.vector_store %arg10[%swap3A], %get3A_104 masked %and3A_117 {strides = array<i32>} : memref<16xi32, #tpu.memory_space<vmem>>, vector<16xi32>, vector<16xi1>
          %swap3A_127 = arith.constant 0 : index
          %swap3A_128 = tpu.vector_load %arg11[%swap3A_127] masked %and3A_117 {strides = array<i32>} : memref<16xi32, #tpu.memory_space<vmem>>, vector<16xi32>, vector<16xi1>
          tpu.vector_store %arg11[%swap3A_127], %get3A_125 masked %and3A_117 {strides = array<i32>} : memref<16xi32, #tpu.memory_space<vmem>>, vector<16xi32>, vector<16xi1>
          %while3A_129 = arith.constant 0 : i32
          %while3A_130 = arith.constant 0 : i32
          %while3A_131 = arith.subi %squeeze3A, %while3A_130 : i32
          %while3A_132 = arith.addi %while3A_130, %while3A_131 : i32
          %while3A_133 = arith.constant 1 : i32
          %while3A_134 = arith.divsi %while3A_131, %while3A_133 : i32
          %while3A_135 = arith.muli %while3A_134, %while3A_133 : i32
          %while3A_136 = arith.addi %while3A_130, %while3A_135 : i32
          %while3A_137 = arith.constant 1 : i32
          scf.for %while3A_149 = %while3A_130 to %while3A_136 step %while3A_137  : i32 {
            %broadcast_in_dim3A = vector.broadcast %while3A_149 : i32 to vector<16xi32>
            %gather3A = tpu.vector_load_idx %arg10[%broadcast_in_dim3A] : memref<16xi32, #tpu.memory_space<vmem>>[vector<16xi32>], vector<16xi32>,
            %sub3A_150 = vector.broadcast %mul3A_75 : i32 to vector<16xi32>
            %sub3A_151 = arith.subi %gather3A, %sub3A_150 : vector<16xi32>
            %gather3A_152 = tpu.vector_load_idx %arg11[%broadcast_in_dim3A] : memref<16xi32, #tpu.memory_space<vmem>>[vector<16xi32>], vector<16xi32>,
            %slice3A_153 = vector.extract_strided_slice %gather3A_152 {offsets = [0], sizes = [1], strides = [1]} : vector<16xi32> to vector<1xi32>
            %squeeze3A_154 = vector.extract %slice3A_153[0] : i32 from vector<1xi32>
            %add3A_155 = arith.constant 0 : i32
            %add3A_156 = vector.broadcast %add3A_155 : i32 to vector<16xi32>
            %add3A_157 = arith.addi %iota3A, %add3A_156 : vector<16xi32>
            %gather3A_158 = tpu.vector_load_idx %arg8[%add3A_157, %sub3A_151] : memref<64x512xf32, #tpu.memory_space<vmem>>[vector<16xi32>, vector<16xi32>], vector<16xf32>,
            %add3A_159 = arith.constant 0 : i32
            %add3A_160 = vector.broadcast %add3A_159 : i32 to vector<16xi32>
            %add3A_161 = arith.addi %iota3A, %add3A_160 : vector<16xi32>
            tpu.vector_store_idx %arg12[%broadcast_in_dim3A, %add3A_161], %gather3A_158 : memref<16x128xf32, #tpu.memory_space<vmem>>[vector<16xi32>, vector<16xi32>], vector<16xf32>,
            %add3A_162 = arith.constant 16 : i32
            %add3A_163 = vector.broadcast %add3A_162 : i32 to vector<16xi32>
            %add3A_164 = arith.addi %iota3A, %add3A_163 : vector<16xi32>
            %gather3A_165 = tpu.vector_load_idx %arg8[%add3A_164, %sub3A_151] : memref<64x512xf32, #tpu.memory_space<vmem>>[vector<16xi32>, vector<16xi32>], vector<16xf32>,
            %add3A_166 = arith.constant 16 : i32
            %add3A_167 = vector.broadcast %add3A_166 : i32 to vector<16xi32>
            %add3A_168 = arith.addi %iota3A, %add3A_167 : vector<16xi32>
            tpu.vector_store_idx %arg12[%broadcast_in_dim3A, %add3A_168], %gather3A_165 : memref<16x128xf32, #tpu.memory_space<vmem>>[vector<16xi32>, vector<16xi32>], vector<16xf32>,
            %add3A_169 = arith.constant 32 : i32
            %add3A_170 = vector.broadcast %add3A_169 : i32 to vector<16xi32>
            %add3A_171 = arith.addi %iota3A, %add3A_170 : vector<16xi32>
            %gather3A_172 = tpu.vector_load_idx %arg8[%add3A_171, %sub3A_151] : memref<64x512xf32, #tpu.memory_space<vmem>>[vector<16xi32>, vector<16xi32>], vector<16xf32>,
            %add3A_173 = arith.constant 32 : i32
            %add3A_174 = vector.broadcast %add3A_173 : i32 to vector<16xi32>
            %add3A_175 = arith.addi %iota3A, %add3A_174 : vector<16xi32>
            tpu.vector_store_idx %arg12[%broadcast_in_dim3A, %add3A_175], %gather3A_172 : memref<16x128xf32, #tpu.memory_space<vmem>>[vector<16xi32>, vector<16xi32>], vector<16xf32>,
            %add3A_176 = arith.constant 48 : i32
            %add3A_177 = vector.broadcast %add3A_176 : i32 to vector<16xi32>
            %add3A_178 = arith.addi %iota3A, %add3A_177 : vector<16xi32>
            %gather3A_179 = tpu.vector_load_idx %arg8[%add3A_178, %sub3A_151] : memref<64x512xf32, #tpu.memory_space<vmem>>[vector<16xi32>, vector<16xi32>], vector<16xf32>,
            %add3A_180 = arith.constant 48 : i32
            %add3A_181 = vector.broadcast %add3A_180 : i32 to vector<16xi32>
            %add3A_182 = arith.addi %iota3A, %add3A_181 : vector<16xi32>
            tpu.vector_store_idx %arg12[%broadcast_in_dim3A, %add3A_182], %gather3A_179 : memref<16x128xf32, #tpu.memory_space<vmem>>[vector<16xi32>, vector<16xi32>], vector<16xf32>,
            %dma_start3A = arith.constant 0 : i32
            %dma_start3A_183 = tpu.memref_slice %arg12[%while3A_149, %dma_start3A] : memref<16x128xf32, #tpu.memory_space<vmem>> -> memref<1x128xf32, #tpu.memory_space<vmem>>
            %dma_start3A_184 = arith.constant 0 : i32
            %dma_start3A_185 = tpu.memref_slice %arg4[%squeeze3A_154, %dma_start3A_184] : memref<16384x128xf32, #tpu.memory_space<hbm>> -> memref<1x128xf32, #tpu.memory_space<hbm>>
            %dma_start3A_186 = arith.constant 0 : i32
            %dma_start3A_187 = tpu.memref_slice %arg4[%squeeze3A_154, %dma_start3A_186] : memref<16384x128xf32, #tpu.memory_space<hbm>> -> memref<1x128xf32, #tpu.memory_space<hbm>>
            %dma_start3A_188 = arith.constant 0 : i32
            %dma_start3A_189 = tpu.memref_slice %arg12[%while3A_149, %dma_start3A_188] : memref<16x128xf32, #tpu.memory_space<vmem>> -> memref<1x128xf32, #tpu.memory_space<vmem>>
            tpu.enqueue_dma source(%dma_start3A_189 : memref<1x128xf32, #tpu.memory_space<vmem>>) target(%dma_start3A_187 : memref<1x128xf32, #tpu.memory_space<hbm>>) target_semaphore(%arg15 : memref<!tpu.dma_semaphore, #tpu.memory_space<semaphore_mem>>)
          }
          %while3A_138 = arith.constant 1 : i32
          scf.for %while3A_149 = %while3A_136 to %while3A_132 step %while3A_138  : i32 {
            %broadcast_in_dim3A = vector.broadcast %while3A_149 : i32 to vector<16xi32>
            %gather3A = tpu.vector_load_idx %arg10[%broadcast_in_dim3A] : memref<16xi32, #tpu.memory_space<vmem>>[vector<16xi32>], vector<16xi32>,
            %sub3A_150 = vector.broadcast %mul3A_75 : i32 to vector<16xi32>
            %sub3A_151 = arith.subi %gather3A, %sub3A_150 : vector<16xi32>
            %gather3A_152 = tpu.vector_load_idx %arg11[%broadcast_in_dim3A] : memref<16xi32, #tpu.memory_space<vmem>>[vector<16xi32>], vector<16xi32>,
            %slice3A_153 = vector.extract_strided_slice %gather3A_152 {offsets = [0], sizes = [1], strides = [1]} : vector<16xi32> to vector<1xi32>
            %squeeze3A_154 = vector.extract %slice3A_153[0] : i32 from vector<1xi32>
            %add3A_155 = arith.constant 0 : i32
            %add3A_156 = vector.broadcast %add3A_155 : i32 to vector<16xi32>
            %add3A_157 = arith.addi %iota3A, %add3A_156 : vector<16xi32>
            %gather3A_158 = tpu.vector_load_idx %arg8[%add3A_157, %sub3A_151] : memref<64x512xf32, #tpu.memory_space<vmem>>[vector<16xi32>, vector<16xi32>], vector<16xf32>,
            %add3A_159 = arith.constant 0 : i32
            %add3A_160 = vector.broadcast %add3A_159 : i32 to vector<16xi32>
            %add3A_161 = arith.addi %iota3A, %add3A_160 : vector<16xi32>
            tpu.vector_store_idx %arg12[%broadcast_in_dim3A, %add3A_161], %gather3A_158 : memref<16x128xf32, #tpu.memory_space<vmem>>[vector<16xi32>, vector<16xi32>], vector<16xf32>,
            %add3A_162 = arith.constant 16 : i32
            %add3A_163 = vector.broadcast %add3A_162 : i32 to vector<16xi32>
            %add3A_164 = arith.addi %iota3A, %add3A_163 : vector<16xi32>
            %gather3A_165 = tpu.vector_load_idx %arg8[%add3A_164, %sub3A_151] : memref<64x512xf32, #tpu.memory_space<vmem>>[vector<16xi32>, vector<16xi32>], vector<16xf32>,
            %add3A_166 = arith.constant 16 : i32
            %add3A_167 = vector.broadcast %add3A_166 : i32 to vector<16xi32>
            %add3A_168 = arith.addi %iota3A, %add3A_167 : vector<16xi32>
            tpu.vector_store_idx %arg12[%broadcast_in_dim3A, %add3A_168], %gather3A_165 : memref<16x128xf32, #tpu.memory_space<vmem>>[vector<16xi32>, vector<16xi32>], vector<16xf32>,
            %add3A_169 = arith.constant 32 : i32
            %add3A_170 = vector.broadcast %add3A_169 : i32 to vector<16xi32>
            %add3A_171 = arith.addi %iota3A, %add3A_170 : vector<16xi32>
            %gather3A_172 = tpu.vector_load_idx %arg8[%add3A_171, %sub3A_151] : memref<64x512xf32, #tpu.memory_space<vmem>>[vector<16xi32>, vector<16xi32>], vector<16xf32>,
            %add3A_173 = arith.constant 32 : i32
            %add3A_174 = vector.broadcast %add3A_173 : i32 to vector<16xi32>
            %add3A_175 = arith.addi %iota3A, %add3A_174 : vector<16xi32>
            tpu.vector_store_idx %arg12[%broadcast_in_dim3A, %add3A_175], %gather3A_172 : memref<16x128xf32, #tpu.memory_space<vmem>>[vector<16xi32>, vector<16xi32>], vector<16xf32>,
            %add3A_176 = arith.constant 48 : i32
            %add3A_177 = vector.broadcast %add3A_176 : i32 to vector<16xi32>
            %add3A_178 = arith.addi %iota3A, %add3A_177 : vector<16xi32>
            %gather3A_179 = tpu.vector_load_idx %arg8[%add3A_178, %sub3A_151] : memref<64x512xf32, #tpu.memory_space<vmem>>[vector<16xi32>, vector<16xi32>], vector<16xf32>,
            %add3A_180 = arith.constant 48 : i32
            %add3A_181 = vector.broadcast %add3A_180 : i32 to vector<16xi32>
            %add3A_182 = arith.addi %iota3A, %add3A_181 : vector<16xi32>
            tpu.vector_store_idx %arg12[%broadcast_in_dim3A, %add3A_182], %gather3A_179 : memref<16x128xf32, #tpu.memory_space<vmem>>[vector<16xi32>, vector<16xi32>], vector<16xf32>,
            %dma_start3A = arith.constant 0 : i32
            %dma_start3A_183 = tpu.memref_slice %arg12[%while3A_149, %dma_start3A] : memref<16x128xf32, #tpu.memory_space<vmem>> -> memref<1x128xf32, #tpu.memory_space<vmem>>
            %dma_start3A_184 = arith.constant 0 : i32
            %dma_start3A_185 = tpu.memref_slice %arg4[%squeeze3A_154, %dma_start3A_184] : memref<16384x128xf32, #tpu.memory_space<hbm>> -> memref<1x128xf32, #tpu.memory_space<hbm>>
            %dma_start3A_186 = arith.constant 0 : i32
            %dma_start3A_187 = tpu.memref_slice %arg4[%squeeze3A_154, %dma_start3A_186] : memref<16384x128xf32, #tpu.memory_space<hbm>> -> memref<1x128xf32, #tpu.memory_space<hbm>>
            %dma_start3A_188 = arith.constant 0 : i32
            %dma_start3A_189 = tpu.memref_slice %arg12[%while3A_149, %dma_start3A_188] : memref<16x128xf32, #tpu.memory_space<vmem>> -> memref<1x128xf32, #tpu.memory_space<vmem>>
            tpu.enqueue_dma source(%dma_start3A_189 : memref<1x128xf32, #tpu.memory_space<vmem>>) target(%dma_start3A_187 : memref<1x128xf32, #tpu.memory_space<hbm>>) target_semaphore(%arg15 : memref<!tpu.dma_semaphore, #tpu.memory_space<semaphore_mem>>)
          }
          %while3A_139 = arith.constant 0 : i32
          %while3A_140 = arith.constant 0 : i32
          %while3A_141 = arith.subi %squeeze3A, %while3A_140 : i32
          %while3A_142 = arith.addi %while3A_140, %while3A_141 : i32
          %while3A_143 = arith.constant 1 : i32
          %while3A_144 = arith.divsi %while3A_141, %while3A_143 : i32
          %while3A_145 = arith.muli %while3A_144, %while3A_143 : i32
          %while3A_146 = arith.addi %while3A_140, %while3A_145 : i32
          %while3A_147 = arith.constant 1 : i32
          scf.for %while3A_149 = %while3A_140 to %while3A_146 step %while3A_147  : i32 {
            %dma_wait3A_150 = arith.constant 0 : i32
            %dma_wait3A_151 = arith.constant 0 : i32
            %dma_wait3A_152 = tpu.memref_slice %arg12[%dma_wait3A_150, %dma_wait3A_151] : memref<16x128xf32, #tpu.memory_space<vmem>> -> memref<1x128xf32, #tpu.memory_space<vmem>>
            %dma_wait3A_153 = arith.constant 0 : i32
            %dma_wait3A_154 = arith.constant 0 : i32
            %dma_wait3A_155 = tpu.memref_slice %arg4[%dma_wait3A_153, %dma_wait3A_154] : memref<16384x128xf32, #tpu.memory_space<hbm>> -> memref<1x128xf32, #tpu.memory_space<hbm>>
            %dma_wait3A_156 = arith.constant 0 : i32
            %dma_wait3A_157 = arith.constant 0 : i32
            %dma_wait3A_158 = tpu.memref_slice %arg4[%dma_wait3A_156, %dma_wait3A_157] : memref<16384x128xf32, #tpu.memory_space<hbm>> -> memref<1x128xf32, #tpu.memory_space<hbm>>
            %dma_wait3A_159 = arith.constant 0 : i32
            %dma_wait3A_160 = arith.constant 0 : i32
            %dma_wait3A_161 = tpu.memref_slice %arg12[%dma_wait3A_159, %dma_wait3A_160] : memref<16x128xf32, #tpu.memory_space<vmem>> -> memref<1x128xf32, #tpu.memory_space<vmem>>
            tpu.wait_dma2 semaphore(%arg15 : memref<!tpu.dma_semaphore, #tpu.memory_space<semaphore_mem>>) src(%dma_wait3A_161 : memref<1x128xf32, #tpu.memory_space<vmem>>) dst(%dma_wait3A_158 : memref<1x128xf32, #tpu.memory_space<hbm>>)
          }
          %while3A_148 = arith.constant 1 : i32
          scf.for %while3A_149 = %while3A_146 to %while3A_142 step %while3A_148  : i32 {
            %dma_wait3A_150 = arith.constant 0 : i32
            %dma_wait3A_151 = arith.constant 0 : i32
            %dma_wait3A_152 = tpu.memref_slice %arg12[%dma_wait3A_150, %dma_wait3A_151] : memref<16x128xf32, #tpu.memory_space<vmem>> -> memref<1x128xf32, #tpu.memory_space<vmem>>
            %dma_wait3A_153 = arith.constant 0 : i32
            %dma_wait3A_154 = arith.constant 0 : i32
            %dma_wait3A_155 = tpu.memref_slice %arg4[%dma_wait3A_153, %dma_wait3A_154] : memref<16384x128xf32, #tpu.memory_space<hbm>> -> memref<1x128xf32, #tpu.memory_space<hbm>>
            %dma_wait3A_156 = arith.constant 0 : i32
            %dma_wait3A_157 = arith.constant 0 : i32
            %dma_wait3A_158 = tpu.memref_slice %arg4[%dma_wait3A_156, %dma_wait3A_157] : memref<16384x128xf32, #tpu.memory_space<hbm>> -> memref<1x128xf32, #tpu.memory_space<hbm>>
            %dma_wait3A_159 = arith.constant 0 : i32
            %dma_wait3A_160 = arith.constant 0 : i32
            %dma_wait3A_161 = tpu.memref_slice %arg12[%dma_wait3A_159, %dma_wait3A_160] : memref<16x128xf32, #tpu.memory_space<vmem>> -> memref<1x128xf32, #tpu.memory_space<vmem>>
            tpu.wait_dma2 semaphore(%arg15 : memref<!tpu.dma_semaphore, #tpu.memory_space<semaphore_mem>>) src(%dma_wait3A_161 : memref<1x128xf32, #tpu.memory_space<vmem>>) dst(%dma_wait3A_158 : memref<1x128xf32, #tpu.memory_space<hbm>>)
          }
        } else {
        }
      }
      %while3A_84 = arith.constant 1 : i32
      scf.for %while3A_101 = %while3A_82 to %while3A_78 step %while3A_84  : i32 {
        %mul3A_102 = arith.constant 16 : i32
        %mul3A_103 = arith.muli %while3A_101, %mul3A_102 : i32
        %get3A = arith.index_cast %mul3A_103 : i32 to index
        %get3A_104 = tpu.vector_load %arg6[%get3A] {strides = array<i32>} : memref<16400xi32, #tpu.memory_space<vmem>>, vector<16xi32>,
        %mul3A_105 = arith.constant 16 : i32
        %mul3A_106 = arith.muli %while3A_101, %mul3A_105 : i32
        %add3A_107 = vector.broadcast %mul3A_106 : i32 to vector<16xi32>
        %add3A_108 = arith.addi %iota3A, %add3A_107 : vector<16xi32>
        %lt3A_109 = vector.broadcast %scan3A_30 : i32 to vector<16xi32>
        %lt3A_110 = arith.cmpi slt, %add3A_108, %lt3A_109 : vector<16xi32>
        %ge3A = vector.broadcast %mul3A_75 : i32 to vector<16xi32>
        %ge3A_111 = arith.cmpi sge, %get3A_104, %ge3A : vector<16xi32>
        %add3A_112 = arith.constant 512 : i32
        %add3A_113 = arith.addi %mul3A_75, %add3A_112 : i32
        %lt3A_114 = vector.broadcast %add3A_113 : i32 to vector<16xi32>
        %lt3A_115 = arith.cmpi slt, %get3A_104, %lt3A_114 : vector<16xi32>
        %and3A_116 = arith.andi %ge3A_111, %lt3A_115 : vector<16xi1>
        %and3A_117 = arith.andi %and3A_116, %lt3A_110 : vector<16xi1>
        %all_reduce_population_count3A = tpu.all_reduce %and3A_117 {dim = 0 : i64, kind = #tpu.reduction_kind<sum>} : vector<16xi1> -> vector<16xi32>
        %slice3A = vector.extract_strided_slice %all_reduce_population_count3A {offsets = [0], sizes = [1], strides = [1]} : vector<16xi32> to vector<1xi32>
        %squeeze3A = vector.extract %slice3A[0] : i32 from vector<1xi32>
        %gt3A = arith.constant 0 : i32
        %gt3A_118 = arith.cmpi sgt, %squeeze3A, %gt3A : i32
        %convert_element_type3A_119 = arith.extui %gt3A_118 : i1 to i32
        %cond3A_120 = arith.constant 0 : i32
        %cond3A_121 = arith.cmpi ne, %convert_element_type3A_119, %cond3A_120 : i32
        scf.if %cond3A_121 {
          %mul3A_122 = arith.constant 16 : i32
          %mul3A_123 = arith.muli %while3A_101, %mul3A_122 : i32
          %get3A_124 = arith.index_cast %mul3A_123 : i32 to index
          %get3A_125 = tpu.vector_load %arg7[%get3A_124] {strides = array<i32>} : memref<16400xi32, #tpu.memory_space<vmem>>, vector<16xi32>,
          %swap3A = arith.constant 0 : index
          %swap3A_126 = tpu.vector_load %arg10[%swap3A] masked %and3A_117 {strides = array<i32>} : memref<16xi32, #tpu.memory_space<vmem>>, vector<16xi32>, vector<16xi1>
          tpu.vector_store %arg10[%swap3A], %get3A_104 masked %and3A_117 {strides = array<i32>} : memref<16xi32, #tpu.memory_space<vmem>>, vector<16xi32>, vector<16xi1>
          %swap3A_127 = arith.constant 0 : index
          %swap3A_128 = tpu.vector_load %arg11[%swap3A_127] masked %and3A_117 {strides = array<i32>} : memref<16xi32, #tpu.memory_space<vmem>>, vector<16xi32>, vector<16xi1>
          tpu.vector_store %arg11[%swap3A_127], %get3A_125 masked %and3A_117 {strides = array<i32>} : memref<16xi32, #tpu.memory_space<vmem>>, vector<16xi32>, vector<16xi1>
          %while3A_129 = arith.constant 0 : i32
          %while3A_130 = arith.constant 0 : i32
          %while3A_131 = arith.subi %squeeze3A, %while3A_130 : i32
          %while3A_132 = arith.addi %while3A_130, %while3A_131 : i32
          %while3A_133 = arith.constant 1 : i32
          %while3A_134 = arith.divsi %while3A_131, %while3A_133 : i32
          %while3A_135 = arith.muli %while3A_134, %while3A_133 : i32
          %while3A_136 = arith.addi %while3A_130, %while3A_135 : i32
          %while3A_137 = arith.constant 1 : i32
          scf.for %while3A_149 = %while3A_130 to %while3A_136 step %while3A_137  : i32 {
            %broadcast_in_dim3A = vector.broadcast %while3A_149 : i32 to vector<16xi32>
            %gather3A = tpu.vector_load_idx %arg10[%broadcast_in_dim3A] : memref<16xi32, #tpu.memory_space<vmem>>[vector<16xi32>], vector<16xi32>,
            %sub3A_150 = vector.broadcast %mul3A_75 : i32 to vector<16xi32>
            %sub3A_151 = arith.subi %gather3A, %sub3A_150 : vector<16xi32>
            %gather3A_152 = tpu.vector_load_idx %arg11[%broadcast_in_dim3A] : memref<16xi32, #tpu.memory_space<vmem>>[vector<16xi32>], vector<16xi32>,
            %slice3A_153 = vector.extract_strided_slice %gather3A_152 {offsets = [0], sizes = [1], strides = [1]} : vector<16xi32> to vector<1xi32>
            %squeeze3A_154 = vector.extract %slice3A_153[0] : i32 from vector<1xi32>
            %add3A_155 = arith.constant 0 : i32
            %add3A_156 = vector.broadcast %add3A_155 : i32 to vector<16xi32>
            %add3A_157 = arith.addi %iota3A, %add3A_156 : vector<16xi32>
            %gather3A_158 = tpu.vector_load_idx %arg8[%add3A_157, %sub3A_151] : memref<64x512xf32, #tpu.memory_space<vmem>>[vector<16xi32>, vector<16xi32>], vector<16xf32>,
            %add3A_159 = arith.constant 0 : i32
            %add3A_160 = vector.broadcast %add3A_159 : i32 to vector<16xi32>
            %add3A_161 = arith.addi %iota3A, %add3A_160 : vector<16xi32>
            tpu.vector_store_idx %arg12[%broadcast_in_dim3A, %add3A_161], %gather3A_158 : memref<16x128xf32, #tpu.memory_space<vmem>>[vector<16xi32>, vector<16xi32>], vector<16xf32>,
            %add3A_162 = arith.constant 16 : i32
            %add3A_163 = vector.broadcast %add3A_162 : i32 to vector<16xi32>
            %add3A_164 = arith.addi %iota3A, %add3A_163 : vector<16xi32>
            %gather3A_165 = tpu.vector_load_idx %arg8[%add3A_164, %sub3A_151] : memref<64x512xf32, #tpu.memory_space<vmem>>[vector<16xi32>, vector<16xi32>], vector<16xf32>,
            %add3A_166 = arith.constant 16 : i32
            %add3A_167 = vector.broadcast %add3A_166 : i32 to vector<16xi32>
            %add3A_168 = arith.addi %iota3A, %add3A_167 : vector<16xi32>
            tpu.vector_store_idx %arg12[%broadcast_in_dim3A, %add3A_168], %gather3A_165 : memref<16x128xf32, #tpu.memory_space<vmem>>[vector<16xi32>, vector<16xi32>], vector<16xf32>,
            %add3A_169 = arith.constant 32 : i32
            %add3A_170 = vector.broadcast %add3A_169 : i32 to vector<16xi32>
            %add3A_171 = arith.addi %iota3A, %add3A_170 : vector<16xi32>
            %gather3A_172 = tpu.vector_load_idx %arg8[%add3A_171, %sub3A_151] : memref<64x512xf32, #tpu.memory_space<vmem>>[vector<16xi32>, vector<16xi32>], vector<16xf32>,
            %add3A_173 = arith.constant 32 : i32
            %add3A_174 = vector.broadcast %add3A_173 : i32 to vector<16xi32>
            %add3A_175 = arith.addi %iota3A, %add3A_174 : vector<16xi32>
            tpu.vector_store_idx %arg12[%broadcast_in_dim3A, %add3A_175], %gather3A_172 : memref<16x128xf32, #tpu.memory_space<vmem>>[vector<16xi32>, vector<16xi32>], vector<16xf32>,
            %add3A_176 = arith.constant 48 : i32
            %add3A_177 = vector.broadcast %add3A_176 : i32 to vector<16xi32>
            %add3A_178 = arith.addi %iota3A, %add3A_177 : vector<16xi32>
            %gather3A_179 = tpu.vector_load_idx %arg8[%add3A_178, %sub3A_151] : memref<64x512xf32, #tpu.memory_space<vmem>>[vector<16xi32>, vector<16xi32>], vector<16xf32>,
            %add3A_180 = arith.constant 48 : i32
            %add3A_181 = vector.broadcast %add3A_180 : i32 to vector<16xi32>
            %add3A_182 = arith.addi %iota3A, %add3A_181 : vector<16xi32>
            tpu.vector_store_idx %arg12[%broadcast_in_dim3A, %add3A_182], %gather3A_179 : memref<16x128xf32, #tpu.memory_space<vmem>>[vector<16xi32>, vector<16xi32>], vector<16xf32>,
            %dma_start3A = arith.constant 0 : i32
            %dma_start3A_183 = tpu.memref_slice %arg12[%while3A_149, %dma_start3A] : memref<16x128xf32, #tpu.memory_space<vmem>> -> memref<1x128xf32, #tpu.memory_space<vmem>>
            %dma_start3A_184 = arith.constant 0 : i32
            %dma_start3A_185 = tpu.memref_slice %arg4[%squeeze3A_154, %dma_start3A_184] : memref<16384x128xf32, #tpu.memory_space<hbm>> -> memref<1x128xf32, #tpu.memory_space<hbm>>
            %dma_start3A_186 = arith.constant 0 : i32
            %dma_start3A_187 = tpu.memref_slice %arg4[%squeeze3A_154, %dma_start3A_186] : memref<16384x128xf32, #tpu.memory_space<hbm>> -> memref<1x128xf32, #tpu.memory_space<hbm>>
            %dma_start3A_188 = arith.constant 0 : i32
            %dma_start3A_189 = tpu.memref_slice %arg12[%while3A_149, %dma_start3A_188] : memref<16x128xf32, #tpu.memory_space<vmem>> -> memref<1x128xf32, #tpu.memory_space<vmem>>
            tpu.enqueue_dma source(%dma_start3A_189 : memref<1x128xf32, #tpu.memory_space<vmem>>) target(%dma_start3A_187 : memref<1x128xf32, #tpu.memory_space<hbm>>) target_semaphore(%arg15 : memref<!tpu.dma_semaphore, #tpu.memory_space<semaphore_mem>>)
          }
          %while3A_138 = arith.constant 1 : i32
          scf.for %while3A_149 = %while3A_136 to %while3A_132 step %while3A_138  : i32 {
            %broadcast_in_dim3A = vector.broadcast %while3A_149 : i32 to vector<16xi32>
            %gather3A = tpu.vector_load_idx %arg10[%broadcast_in_dim3A] : memref<16xi32, #tpu.memory_space<vmem>>[vector<16xi32>], vector<16xi32>,
            %sub3A_150 = vector.broadcast %mul3A_75 : i32 to vector<16xi32>
            %sub3A_151 = arith.subi %gather3A, %sub3A_150 : vector<16xi32>
            %gather3A_152 = tpu.vector_load_idx %arg11[%broadcast_in_dim3A] : memref<16xi32, #tpu.memory_space<vmem>>[vector<16xi32>], vector<16xi32>,
            %slice3A_153 = vector.extract_strided_slice %gather3A_152 {offsets = [0], sizes = [1], strides = [1]} : vector<16xi32> to vector<1xi32>
            %squeeze3A_154 = vector.extract %slice3A_153[0] : i32 from vector<1xi32>
            %add3A_155 = arith.constant 0 : i32
            %add3A_156 = vector.broadcast %add3A_155 : i32 to vector<16xi32>
            %add3A_157 = arith.addi %iota3A, %add3A_156 : vector<16xi32>
            %gather3A_158 = tpu.vector_load_idx %arg8[%add3A_157, %sub3A_151] : memref<64x512xf32, #tpu.memory_space<vmem>>[vector<16xi32>, vector<16xi32>], vector<16xf32>,
            %add3A_159 = arith.constant 0 : i32
            %add3A_160 = vector.broadcast %add3A_159 : i32 to vector<16xi32>
            %add3A_161 = arith.addi %iota3A, %add3A_160 : vector<16xi32>
            tpu.vector_store_idx %arg12[%broadcast_in_dim3A, %add3A_161], %gather3A_158 : memref<16x128xf32, #tpu.memory_space<vmem>>[vector<16xi32>, vector<16xi32>], vector<16xf32>,
            %add3A_162 = arith.constant 16 : i32
            %add3A_163 = vector.broadcast %add3A_162 : i32 to vector<16xi32>
            %add3A_164 = arith.addi %iota3A, %add3A_163 : vector<16xi32>
            %gather3A_165 = tpu.vector_load_idx %arg8[%add3A_164, %sub3A_151] : memref<64x512xf32, #tpu.memory_space<vmem>>[vector<16xi32>, vector<16xi32>], vector<16xf32>,
            %add3A_166 = arith.constant 16 : i32
            %add3A_167 = vector.broadcast %add3A_166 : i32 to vector<16xi32>
            %add3A_168 = arith.addi %iota3A, %add3A_167 : vector<16xi32>
            tpu.vector_store_idx %arg12[%broadcast_in_dim3A, %add3A_168], %gather3A_165 : memref<16x128xf32, #tpu.memory_space<vmem>>[vector<16xi32>, vector<16xi32>], vector<16xf32>,
            %add3A_169 = arith.constant 32 : i32
            %add3A_170 = vector.broadcast %add3A_169 : i32 to vector<16xi32>
            %add3A_171 = arith.addi %iota3A, %add3A_170 : vector<16xi32>
            %gather3A_172 = tpu.vector_load_idx %arg8[%add3A_171, %sub3A_151] : memref<64x512xf32, #tpu.memory_space<vmem>>[vector<16xi32>, vector<16xi32>], vector<16xf32>,
            %add3A_173 = arith.constant 32 : i32
            %add3A_174 = vector.broadcast %add3A_173 : i32 to vector<16xi32>
            %add3A_175 = arith.addi %iota3A, %add3A_174 : vector<16xi32>
            tpu.vector_store_idx %arg12[%broadcast_in_dim3A, %add3A_175], %gather3A_172 : memref<16x128xf32, #tpu.memory_space<vmem>>[vector<16xi32>, vector<16xi32>], vector<16xf32>,
            %add3A_176 = arith.constant 48 : i32
            %add3A_177 = vector.broadcast %add3A_176 : i32 to vector<16xi32>
            %add3A_178 = arith.addi %iota3A, %add3A_177 : vector<16xi32>
            %gather3A_179 = tpu.vector_load_idx %arg8[%add3A_178, %sub3A_151] : memref<64x512xf32, #tpu.memory_space<vmem>>[vector<16xi32>, vector<16xi32>], vector<16xf32>,
            %add3A_180 = arith.constant 48 : i32
            %add3A_181 = vector.broadcast %add3A_180 : i32 to vector<16xi32>
            %add3A_182 = arith.addi %iota3A, %add3A_181 : vector<16xi32>
            tpu.vector_store_idx %arg12[%broadcast_in_dim3A, %add3A_182], %gather3A_179 : memref<16x128xf32, #tpu.memory_space<vmem>>[vector<16xi32>, vector<16xi32>], vector<16xf32>,
            %dma_start3A = arith.constant 0 : i32
            %dma_start3A_183 = tpu.memref_slice %arg12[%while3A_149, %dma_start3A] : memref<16x128xf32, #tpu.memory_space<vmem>> -> memref<1x128xf32, #tpu.memory_space<vmem>>
            %dma_start3A_184 = arith.constant 0 : i32
            %dma_start3A_185 = tpu.memref_slice %arg4[%squeeze3A_154, %dma_start3A_184] : memref<16384x128xf32, #tpu.memory_space<hbm>> -> memref<1x128xf32, #tpu.memory_space<hbm>>
            %dma_start3A_186 = arith.constant 0 : i32
            %dma_start3A_187 = tpu.memref_slice %arg4[%squeeze3A_154, %dma_start3A_186] : memref<16384x128xf32, #tpu.memory_space<hbm>> -> memref<1x128xf32, #tpu.memory_space<hbm>>
            %dma_start3A_188 = arith.constant 0 : i32
            %dma_start3A_189 = tpu.memref_slice %arg12[%while3A_149, %dma_start3A_188] : memref<16x128xf32, #tpu.memory_space<vmem>> -> memref<1x128xf32, #tpu.memory_space<vmem>>
            tpu.enqueue_dma source(%dma_start3A_189 : memref<1x128xf32, #tpu.memory_space<vmem>>) target(%dma_start3A_187 : memref<1x128xf32, #tpu.memory_space<hbm>>) target_semaphore(%arg15 : memref<!tpu.dma_semaphore, #tpu.memory_space<semaphore_mem>>)
          }
          %while3A_139 = arith.constant 0 : i32
          %while3A_140 = arith.constant 0 : i32
          %while3A_141 = arith.subi %squeeze3A, %while3A_140 : i32
          %while3A_142 = arith.addi %while3A_140, %while3A_141 : i32
          %while3A_143 = arith.constant 1 : i32
          %while3A_144 = arith.divsi %while3A_141, %while3A_143 : i32
          %while3A_145 = arith.muli %while3A_144, %while3A_143 : i32
          %while3A_146 = arith.addi %while3A_140, %while3A_145 : i32
          %while3A_147 = arith.constant 1 : i32
          scf.for %while3A_149 = %while3A_140 to %while3A_146 step %while3A_147  : i32 {
            %dma_wait3A_150 = arith.constant 0 : i32
            %dma_wait3A_151 = arith.constant 0 : i32
            %dma_wait3A_152 = tpu.memref_slice %arg12[%dma_wait3A_150, %dma_wait3A_151] : memref<16x128xf32, #tpu.memory_space<vmem>> -> memref<1x128xf32, #tpu.memory_space<vmem>>
            %dma_wait3A_153 = arith.constant 0 : i32
            %dma_wait3A_154 = arith.constant 0 : i32
            %dma_wait3A_155 = tpu.memref_slice %arg4[%dma_wait3A_153, %dma_wait3A_154] : memref<16384x128xf32, #tpu.memory_space<hbm>> -> memref<1x128xf32, #tpu.memory_space<hbm>>
            %dma_wait3A_156 = arith.constant 0 : i32
            %dma_wait3A_157 = arith.constant 0 : i32
            %dma_wait3A_158 = tpu.memref_slice %arg4[%dma_wait3A_156, %dma_wait3A_157] : memref<16384x128xf32, #tpu.memory_space<hbm>> -> memref<1x128xf32, #tpu.memory_space<hbm>>
            %dma_wait3A_159 = arith.constant 0 : i32
            %dma_wait3A_160 = arith.constant 0 : i32
            %dma_wait3A_161 = tpu.memref_slice %arg12[%dma_wait3A_159, %dma_wait3A_160] : memref<16x128xf32, #tpu.memory_space<vmem>> -> memref<1x128xf32, #tpu.memory_space<vmem>>
            tpu.wait_dma2 semaphore(%arg15 : memref<!tpu.dma_semaphore, #tpu.memory_space<semaphore_mem>>) src(%dma_wait3A_161 : memref<1x128xf32, #tpu.memory_space<vmem>>) dst(%dma_wait3A_158 : memref<1x128xf32, #tpu.memory_space<hbm>>)
          }
          %while3A_148 = arith.constant 1 : i32
          scf.for %while3A_149 = %while3A_146 to %while3A_142 step %while3A_148  : i32 {
            %dma_wait3A_150 = arith.constant 0 : i32
            %dma_wait3A_151 = arith.constant 0 : i32
            %dma_wait3A_152 = tpu.memref_slice %arg12[%dma_wait3A_150, %dma_wait3A_151] : memref<16x128xf32, #tpu.memory_space<vmem>> -> memref<1x128xf32, #tpu.memory_space<vmem>>
            %dma_wait3A_153 = arith.constant 0 : i32
            %dma_wait3A_154 = arith.constant 0 : i32
            %dma_wait3A_155 = tpu.memref_slice %arg4[%dma_wait3A_153, %dma_wait3A_154] : memref<16384x128xf32, #tpu.memory_space<hbm>> -> memref<1x128xf32, #tpu.memory_space<hbm>>
            %dma_wait3A_156 = arith.constant 0 : i32
            %dma_wait3A_157 = arith.constant 0 : i32
            %dma_wait3A_158 = tpu.memref_slice %arg4[%dma_wait3A_156, %dma_wait3A_157] : memref<16384x128xf32, #tpu.memory_space<hbm>> -> memref<1x128xf32, #tpu.memory_space<hbm>>
            %dma_wait3A_159 = arith.constant 0 : i32
            %dma_wait3A_160 = arith.constant 0 : i32
            %dma_wait3A_161 = tpu.memref_slice %arg12[%dma_wait3A_159, %dma_wait3A_160] : memref<16x128xf32, #tpu.memory_space<vmem>> -> memref<1x128xf32, #tpu.memory_space<vmem>>
            tpu.wait_dma2 semaphore(%arg15 : memref<!tpu.dma_semaphore, #tpu.memory_space<semaphore_mem>>) src(%dma_wait3A_161 : memref<1x128xf32, #tpu.memory_space<vmem>>) dst(%dma_wait3A_158 : memref<1x128xf32, #tpu.memory_space<hbm>>)
          }
        } else {
        }
      }
      %add3A_85 = arith.constant 2 : i32
      %add3A_86 = arith.addi %mul3A_63, %add3A_85 : i32
      %lt3A_87 = arith.cmpi slt, %add3A_86, %select_n3A_11 : i32
      %convert_element_type3A_88 = arith.extui %lt3A_87 : i1 to i32
      %cond3A_89 = arith.constant 0 : i32
      %cond3A_90 = arith.cmpi ne, %convert_element_type3A_88, %cond3A_89 : i32
      scf.if %cond3A_90 {
        %add3A_101 = arith.addi %select_n3A, %add3A_86 : i32
        %mul3A_102 = arith.constant 512 : i32
        %mul3A_103 = arith.muli %add3A_101, %mul3A_102 : i32
        %dma_start3A = arith.constant 0 : i32
        %dma_start3A_104 = tpu.memref_slice %arg3[%dma_start3A, %mul3A_103] : memref<64x1000000xf32, #tpu.memory_space<hbm>> -> memref<64x512xf32, #tpu.memory_space<hbm>>
        %dma_start3A_105 = arith.constant 0 : i32
        %dma_start3A_106 = tpu.memref_slice %arg3[%dma_start3A_105, %mul3A_103] : memref<64x1000000xf32, #tpu.memory_space<hbm>> -> memref<64x512xf32, #tpu.memory_space<hbm>>
        tpu.enqueue_dma source(%dma_start3A_106 : memref<64x512xf32, #tpu.memory_space<hbm>>) target(%arg8 : memref<64x512xf32, #tpu.memory_space<vmem>>) target_semaphore(%arg13 : memref<!tpu.dma_semaphore, #tpu.memory_space<semaphore_mem>>)
      } else {
      }
      %lt3A_91 = arith.cmpi slt, %add3A_67, %select_n3A_11 : i32
      %convert_element_type3A_92 = arith.extui %lt3A_91 : i1 to i32
      %cond3A_93 = arith.constant 0 : i32
      %cond3A_94 = arith.cmpi ne, %convert_element_type3A_92, %cond3A_93 : i32
      scf.if %cond3A_94 {
        %dma_wait3A_101 = arith.constant 0 : i32
        %dma_wait3A_102 = arith.constant 0 : i32
        %dma_wait3A_103 = tpu.memref_slice %arg3[%dma_wait3A_101, %dma_wait3A_102] : memref<64x1000000xf32, #tpu.memory_space<hbm>> -> memref<64x512xf32, #tpu.memory_space<hbm>>
        %dma_wait3A_104 = arith.constant 0 : i32
        %dma_wait3A_105 = arith.constant 0 : i32
        %dma_wait3A_106 = tpu.memref_slice %arg3[%dma_wait3A_104, %dma_wait3A_105] : memref<64x1000000xf32, #tpu.memory_space<hbm>> -> memref<64x512xf32, #tpu.memory_space<hbm>>
        tpu.wait_dma2 semaphore(%arg14 : memref<!tpu.dma_semaphore, #tpu.memory_space<semaphore_mem>>) src(%dma_wait3A_106 : memref<64x512xf32, #tpu.memory_space<hbm>>) dst(%arg9 : memref<64x512xf32, #tpu.memory_space<vmem>>)
        %add3A_107 = arith.addi %select_n3A, %add3A_67 : i32
        %mul3A_108 = arith.constant 512 : i32
        %mul3A_109 = arith.muli %add3A_107, %mul3A_108 : i32
        %while3A_110 = arith.constant 0 : i32
        %while3A_111 = arith.constant 0 : i32
        %while3A_112 = arith.subi %select_n3A_54, %while3A_111 : i32
        %while3A_113 = arith.addi %while3A_111, %while3A_112 : i32
        %while3A_114 = arith.constant 1 : i32
        %while3A_115 = arith.divsi %while3A_112, %while3A_114 : i32
        %while3A_116 = arith.muli %while3A_115, %while3A_114 : i32
        %while3A_117 = arith.addi %while3A_111, %while3A_116 : i32
        %while3A_118 = arith.constant 1 : i32
        scf.for %while3A_120 = %while3A_111 to %while3A_117 step %while3A_118  : i32 {
          %mul3A_121 = arith.constant 16 : i32
          %mul3A_122 = arith.muli %while3A_120, %mul3A_121 : i32
          %get3A = arith.index_cast %mul3A_122 : i32 to index
          %get3A_123 = tpu.vector_load %arg6[%get3A] {strides = array<i32>} : memref<16400xi32, #tpu.memory_space<vmem>>, vector<16xi32>,
          %mul3A_124 = arith.constant 16 : i32
          %mul3A_125 = arith.muli %while3A_120, %mul3A_124 : i32
          %add3A_126 = vector.broadcast %mul3A_125 : i32 to vector<16xi32>
          %add3A_127 = arith.addi %iota3A, %add3A_126 : vector<16xi32>
          %lt3A_128 = vector.broadcast %scan3A_30 : i32 to vector<16xi32>
          %lt3A_129 = arith.cmpi slt, %add3A_127, %lt3A_128 : vector<16xi32>
          %ge3A = vector.broadcast %mul3A_109 : i32 to vector<16xi32>
          %ge3A_130 = arith.cmpi sge, %get3A_123, %ge3A : vector<16xi32>
          %add3A_131 = arith.constant 512 : i32
          %add3A_132 = arith.addi %mul3A_109, %add3A_131 : i32
          %lt3A_133 = vector.broadcast %add3A_132 : i32 to vector<16xi32>
          %lt3A_134 = arith.cmpi slt, %get3A_123, %lt3A_133 : vector<16xi32>
          %and3A_135 = arith.andi %ge3A_130, %lt3A_134 : vector<16xi1>
          %and3A_136 = arith.andi %and3A_135, %lt3A_129 : vector<16xi1>
          %all_reduce_population_count3A = tpu.all_reduce %and3A_136 {dim = 0 : i64, kind = #tpu.reduction_kind<sum>} : vector<16xi1> -> vector<16xi32>
          %slice3A = vector.extract_strided_slice %all_reduce_population_count3A {offsets = [0], sizes = [1], strides = [1]} : vector<16xi32> to vector<1xi32>
          %squeeze3A = vector.extract %slice3A[0] : i32 from vector<1xi32>
          %gt3A = arith.constant 0 : i32
          %gt3A_137 = arith.cmpi sgt, %squeeze3A, %gt3A : i32
          %convert_element_type3A_138 = arith.extui %gt3A_137 : i1 to i32
          %cond3A_139 = arith.constant 0 : i32
          %cond3A_140 = arith.cmpi ne, %convert_element_type3A_138, %cond3A_139 : i32
          scf.if %cond3A_140 {
            %mul3A_141 = arith.constant 16 : i32
            %mul3A_142 = arith.muli %while3A_120, %mul3A_141 : i32
            %get3A_143 = arith.index_cast %mul3A_142 : i32 to index
            %get3A_144 = tpu.vector_load %arg7[%get3A_143] {strides = array<i32>} : memref<16400xi32, #tpu.memory_space<vmem>>, vector<16xi32>,
            %swap3A = arith.constant 0 : index
            %swap3A_145 = tpu.vector_load %arg10[%swap3A] masked %and3A_136 {strides = array<i32>} : memref<16xi32, #tpu.memory_space<vmem>>, vector<16xi32>, vector<16xi1>
            tpu.vector_store %arg10[%swap3A], %get3A_123 masked %and3A_136 {strides = array<i32>} : memref<16xi32, #tpu.memory_space<vmem>>, vector<16xi32>, vector<16xi1>
            %swap3A_146 = arith.constant 0 : index
            %swap3A_147 = tpu.vector_load %arg11[%swap3A_146] masked %and3A_136 {strides = array<i32>} : memref<16xi32, #tpu.memory_space<vmem>>, vector<16xi32>, vector<16xi1>
            tpu.vector_store %arg11[%swap3A_146], %get3A_144 masked %and3A_136 {strides = array<i32>} : memref<16xi32, #tpu.memory_space<vmem>>, vector<16xi32>, vector<16xi1>
            %while3A_148 = arith.constant 0 : i32
            %while3A_149 = arith.constant 0 : i32
            %while3A_150 = arith.subi %squeeze3A, %while3A_149 : i32
            %while3A_151 = arith.addi %while3A_149, %while3A_150 : i32
            %while3A_152 = arith.constant 1 : i32
            %while3A_153 = arith.divsi %while3A_150, %while3A_152 : i32
            %while3A_154 = arith.muli %while3A_153, %while3A_152 : i32
            %while3A_155 = arith.addi %while3A_149, %while3A_154 : i32
            %while3A_156 = arith.constant 1 : i32
            scf.for %while3A_168 = %while3A_149 to %while3A_155 step %while3A_156  : i32 {
              %broadcast_in_dim3A = vector.broadcast %while3A_168 : i32 to vector<16xi32>
              %gather3A = tpu.vector_load_idx %arg10[%broadcast_in_dim3A] : memref<16xi32, #tpu.memory_space<vmem>>[vector<16xi32>], vector<16xi32>,
              %sub3A_169 = vector.broadcast %mul3A_109 : i32 to vector<16xi32>
              %sub3A_170 = arith.subi %gather3A, %sub3A_169 : vector<16xi32>
              %gather3A_171 = tpu.vector_load_idx %arg11[%broadcast_in_dim3A] : memref<16xi32, #tpu.memory_space<vmem>>[vector<16xi32>], vector<16xi32>,
              %slice3A_172 = vector.extract_strided_slice %gather3A_171 {offsets = [0], sizes = [1], strides = [1]} : vector<16xi32> to vector<1xi32>
              %squeeze3A_173 = vector.extract %slice3A_172[0] : i32 from vector<1xi32>
              %add3A_174 = arith.constant 0 : i32
              %add3A_175 = vector.broadcast %add3A_174 : i32 to vector<16xi32>
              %add3A_176 = arith.addi %iota3A, %add3A_175 : vector<16xi32>
              %gather3A_177 = tpu.vector_load_idx %arg9[%add3A_176, %sub3A_170] : memref<64x512xf32, #tpu.memory_space<vmem>>[vector<16xi32>, vector<16xi32>], vector<16xf32>,
              %add3A_178 = arith.constant 0 : i32
              %add3A_179 = vector.broadcast %add3A_178 : i32 to vector<16xi32>
              %add3A_180 = arith.addi %iota3A, %add3A_179 : vector<16xi32>
              tpu.vector_store_idx %arg12[%broadcast_in_dim3A, %add3A_180], %gather3A_177 : memref<16x128xf32, #tpu.memory_space<vmem>>[vector<16xi32>, vector<16xi32>], vector<16xf32>,
              %add3A_181 = arith.constant 16 : i32
              %add3A_182 = vector.broadcast %add3A_181 : i32 to vector<16xi32>
              %add3A_183 = arith.addi %iota3A, %add3A_182 : vector<16xi32>
              %gather3A_184 = tpu.vector_load_idx %arg9[%add3A_183, %sub3A_170] : memref<64x512xf32, #tpu.memory_space<vmem>>[vector<16xi32>, vector<16xi32>], vector<16xf32>,
              %add3A_185 = arith.constant 16 : i32
              %add3A_186 = vector.broadcast %add3A_185 : i32 to vector<16xi32>
              %add3A_187 = arith.addi %iota3A, %add3A_186 : vector<16xi32>
              tpu.vector_store_idx %arg12[%broadcast_in_dim3A, %add3A_187], %gather3A_184 : memref<16x128xf32, #tpu.memory_space<vmem>>[vector<16xi32>, vector<16xi32>], vector<16xf32>,
              %add3A_188 = arith.constant 32 : i32
              %add3A_189 = vector.broadcast %add3A_188 : i32 to vector<16xi32>
              %add3A_190 = arith.addi %iota3A, %add3A_189 : vector<16xi32>
              %gather3A_191 = tpu.vector_load_idx %arg9[%add3A_190, %sub3A_170] : memref<64x512xf32, #tpu.memory_space<vmem>>[vector<16xi32>, vector<16xi32>], vector<16xf32>,
              %add3A_192 = arith.constant 32 : i32
              %add3A_193 = vector.broadcast %add3A_192 : i32 to vector<16xi32>
              %add3A_194 = arith.addi %iota3A, %add3A_193 : vector<16xi32>
              tpu.vector_store_idx %arg12[%broadcast_in_dim3A, %add3A_194], %gather3A_191 : memref<16x128xf32, #tpu.memory_space<vmem>>[vector<16xi32>, vector<16xi32>], vector<16xf32>,
              %add3A_195 = arith.constant 48 : i32
              %add3A_196 = vector.broadcast %add3A_195 : i32 to vector<16xi32>
              %add3A_197 = arith.addi %iota3A, %add3A_196 : vector<16xi32>
              %gather3A_198 = tpu.vector_load_idx %arg9[%add3A_197, %sub3A_170] : memref<64x512xf32, #tpu.memory_space<vmem>>[vector<16xi32>, vector<16xi32>], vector<16xf32>,
              %add3A_199 = arith.constant 48 : i32
              %add3A_200 = vector.broadcast %add3A_199 : i32 to vector<16xi32>
              %add3A_201 = arith.addi %iota3A, %add3A_200 : vector<16xi32>
              tpu.vector_store_idx %arg12[%broadcast_in_dim3A, %add3A_201], %gather3A_198 : memref<16x128xf32, #tpu.memory_space<vmem>>[vector<16xi32>, vector<16xi32>], vector<16xf32>,
              %dma_start3A = arith.constant 0 : i32
              %dma_start3A_202 = tpu.memref_slice %arg12[%while3A_168, %dma_start3A] : memref<16x128xf32, #tpu.memory_space<vmem>> -> memref<1x128xf32, #tpu.memory_space<vmem>>
              %dma_start3A_203 = arith.constant 0 : i32
              %dma_start3A_204 = tpu.memref_slice %arg4[%squeeze3A_173, %dma_start3A_203] : memref<16384x128xf32, #tpu.memory_space<hbm>> -> memref<1x128xf32, #tpu.memory_space<hbm>>
              %dma_start3A_205 = arith.constant 0 : i32
              %dma_start3A_206 = tpu.memref_slice %arg4[%squeeze3A_173, %dma_start3A_205] : memref<16384x128xf32, #tpu.memory_space<hbm>> -> memref<1x128xf32, #tpu.memory_space<hbm>>
              %dma_start3A_207 = arith.constant 0 : i32
              %dma_start3A_208 = tpu.memref_slice %arg12[%while3A_168, %dma_start3A_207] : memref<16x128xf32, #tpu.memory_space<vmem>> -> memref<1x128xf32, #tpu.memory_space<vmem>>
              tpu.enqueue_dma source(%dma_start3A_208 : memref<1x128xf32, #tpu.memory_space<vmem>>) target(%dma_start3A_206 : memref<1x128xf32, #tpu.memory_space<hbm>>) target_semaphore(%arg15 : memref<!tpu.dma_semaphore, #tpu.memory_space<semaphore_mem>>)
            }
            %while3A_157 = arith.constant 1 : i32
            scf.for %while3A_168 = %while3A_155 to %while3A_151 step %while3A_157  : i32 {
              %broadcast_in_dim3A = vector.broadcast %while3A_168 : i32 to vector<16xi32>
              %gather3A = tpu.vector_load_idx %arg10[%broadcast_in_dim3A] : memref<16xi32, #tpu.memory_space<vmem>>[vector<16xi32>], vector<16xi32>,
              %sub3A_169 = vector.broadcast %mul3A_109 : i32 to vector<16xi32>
              %sub3A_170 = arith.subi %gather3A, %sub3A_169 : vector<16xi32>
              %gather3A_171 = tpu.vector_load_idx %arg11[%broadcast_in_dim3A] : memref<16xi32, #tpu.memory_space<vmem>>[vector<16xi32>], vector<16xi32>,
              %slice3A_172 = vector.extract_strided_slice %gather3A_171 {offsets = [0], sizes = [1], strides = [1]} : vector<16xi32> to vector<1xi32>
              %squeeze3A_173 = vector.extract %slice3A_172[0] : i32 from vector<1xi32>
              %add3A_174 = arith.constant 0 : i32
              %add3A_175 = vector.broadcast %add3A_174 : i32 to vector<16xi32>
              %add3A_176 = arith.addi %iota3A, %add3A_175 : vector<16xi32>
              %gather3A_177 = tpu.vector_load_idx %arg9[%add3A_176, %sub3A_170] : memref<64x512xf32, #tpu.memory_space<vmem>>[vector<16xi32>, vector<16xi32>], vector<16xf32>,
              %add3A_178 = arith.constant 0 : i32
              %add3A_179 = vector.broadcast %add3A_178 : i32 to vector<16xi32>
              %add3A_180 = arith.addi %iota3A, %add3A_179 : vector<16xi32>
              tpu.vector_store_idx %arg12[%broadcast_in_dim3A, %add3A_180], %gather3A_177 : memref<16x128xf32, #tpu.memory_space<vmem>>[vector<16xi32>, vector<16xi32>], vector<16xf32>,
              %add3A_181 = arith.constant 16 : i32
              %add3A_182 = vector.broadcast %add3A_181 : i32 to vector<16xi32>
              %add3A_183 = arith.addi %iota3A, %add3A_182 : vector<16xi32>
              %gather3A_184 = tpu.vector_load_idx %arg9[%add3A_183, %sub3A_170] : memref<64x512xf32, #tpu.memory_space<vmem>>[vector<16xi32>, vector<16xi32>], vector<16xf32>,
              %add3A_185 = arith.constant 16 : i32
              %add3A_186 = vector.broadcast %add3A_185 : i32 to vector<16xi32>
              %add3A_187 = arith.addi %iota3A, %add3A_186 : vector<16xi32>
              tpu.vector_store_idx %arg12[%broadcast_in_dim3A, %add3A_187], %gather3A_184 : memref<16x128xf32, #tpu.memory_space<vmem>>[vector<16xi32>, vector<16xi32>], vector<16xf32>,
              %add3A_188 = arith.constant 32 : i32
              %add3A_189 = vector.broadcast %add3A_188 : i32 to vector<16xi32>
              %add3A_190 = arith.addi %iota3A, %add3A_189 : vector<16xi32>
              %gather3A_191 = tpu.vector_load_idx %arg9[%add3A_190, %sub3A_170] : memref<64x512xf32, #tpu.memory_space<vmem>>[vector<16xi32>, vector<16xi32>], vector<16xf32>,
              %add3A_192 = arith.constant 32 : i32
              %add3A_193 = vector.broadcast %add3A_192 : i32 to vector<16xi32>
              %add3A_194 = arith.addi %iota3A, %add3A_193 : vector<16xi32>
              tpu.vector_store_idx %arg12[%broadcast_in_dim3A, %add3A_194], %gather3A_191 : memref<16x128xf32, #tpu.memory_space<vmem>>[vector<16xi32>, vector<16xi32>], vector<16xf32>,
              %add3A_195 = arith.constant 48 : i32
              %add3A_196 = vector.broadcast %add3A_195 : i32 to vector<16xi32>
              %add3A_197 = arith.addi %iota3A, %add3A_196 : vector<16xi32>
              %gather3A_198 = tpu.vector_load_idx %arg9[%add3A_197, %sub3A_170] : memref<64x512xf32, #tpu.memory_space<vmem>>[vector<16xi32>, vector<16xi32>], vector<16xf32>,
              %add3A_199 = arith.constant 48 : i32
              %add3A_200 = vector.broadcast %add3A_199 : i32 to vector<16xi32>
              %add3A_201 = arith.addi %iota3A, %add3A_200 : vector<16xi32>
              tpu.vector_store_idx %arg12[%broadcast_in_dim3A, %add3A_201], %gather3A_198 : memref<16x128xf32, #tpu.memory_space<vmem>>[vector<16xi32>, vector<16xi32>], vector<16xf32>,
              %dma_start3A = arith.constant 0 : i32
              %dma_start3A_202 = tpu.memref_slice %arg12[%while3A_168, %dma_start3A] : memref<16x128xf32, #tpu.memory_space<vmem>> -> memref<1x128xf32, #tpu.memory_space<vmem>>
              %dma_start3A_203 = arith.constant 0 : i32
              %dma_start3A_204 = tpu.memref_slice %arg4[%squeeze3A_173, %dma_start3A_203] : memref<16384x128xf32, #tpu.memory_space<hbm>> -> memref<1x128xf32, #tpu.memory_space<hbm>>
              %dma_start3A_205 = arith.constant 0 : i32
              %dma_start3A_206 = tpu.memref_slice %arg4[%squeeze3A_173, %dma_start3A_205] : memref<16384x128xf32, #tpu.memory_space<hbm>> -> memref<1x128xf32, #tpu.memory_space<hbm>>
              %dma_start3A_207 = arith.constant 0 : i32
              %dma_start3A_208 = tpu.memref_slice %arg12[%while3A_168, %dma_start3A_207] : memref<16x128xf32, #tpu.memory_space<vmem>> -> memref<1x128xf32, #tpu.memory_space<vmem>>
              tpu.enqueue_dma source(%dma_start3A_208 : memref<1x128xf32, #tpu.memory_space<vmem>>) target(%dma_start3A_206 : memref<1x128xf32, #tpu.memory_space<hbm>>) target_semaphore(%arg15 : memref<!tpu.dma_semaphore, #tpu.memory_space<semaphore_mem>>)
            }
            %while3A_158 = arith.constant 0 : i32
            %while3A_159 = arith.constant 0 : i32
            %while3A_160 = arith.subi %squeeze3A, %while3A_159 : i32
            %while3A_161 = arith.addi %while3A_159, %while3A_160 : i32
            %while3A_162 = arith.constant 1 : i32
            %while3A_163 = arith.divsi %while3A_160, %while3A_162 : i32
            %while3A_164 = arith.muli %while3A_163, %while3A_162 : i32
            %while3A_165 = arith.addi %while3A_159, %while3A_164 : i32
            %while3A_166 = arith.constant 1 : i32
            scf.for %while3A_168 = %while3A_159 to %while3A_165 step %while3A_166  : i32 {
              %dma_wait3A_169 = arith.constant 0 : i32
              %dma_wait3A_170 = arith.constant 0 : i32
              %dma_wait3A_171 = tpu.memref_slice %arg12[%dma_wait3A_169, %dma_wait3A_170] : memref<16x128xf32, #tpu.memory_space<vmem>> -> memref<1x128xf32, #tpu.memory_space<vmem>>
              %dma_wait3A_172 = arith.constant 0 : i32
              %dma_wait3A_173 = arith.constant 0 : i32
              %dma_wait3A_174 = tpu.memref_slice %arg4[%dma_wait3A_172, %dma_wait3A_173] : memref<16384x128xf32, #tpu.memory_space<hbm>> -> memref<1x128xf32, #tpu.memory_space<hbm>>
              %dma_wait3A_175 = arith.constant 0 : i32
              %dma_wait3A_176 = arith.constant 0 : i32
              %dma_wait3A_177 = tpu.memref_slice %arg4[%dma_wait3A_175, %dma_wait3A_176] : memref<16384x128xf32, #tpu.memory_space<hbm>> -> memref<1x128xf32, #tpu.memory_space<hbm>>
              %dma_wait3A_178 = arith.constant 0 : i32
              %dma_wait3A_179 = arith.constant 0 : i32
              %dma_wait3A_180 = tpu.memref_slice %arg12[%dma_wait3A_178, %dma_wait3A_179] : memref<16x128xf32, #tpu.memory_space<vmem>> -> memref<1x128xf32, #tpu.memory_space<vmem>>
              tpu.wait_dma2 semaphore(%arg15 : memref<!tpu.dma_semaphore, #tpu.memory_space<semaphore_mem>>) src(%dma_wait3A_180 : memref<1x128xf32, #tpu.memory_space<vmem>>) dst(%dma_wait3A_177 : memref<1x128xf32, #tpu.memory_space<hbm>>)
            }
            %while3A_167 = arith.constant 1 : i32
            scf.for %while3A_168 = %while3A_165 to %while3A_161 step %while3A_167  : i32 {
              %dma_wait3A_169 = arith.constant 0 : i32
              %dma_wait3A_170 = arith.constant 0 : i32
              %dma_wait3A_171 = tpu.memref_slice %arg12[%dma_wait3A_169, %dma_wait3A_170] : memref<16x128xf32, #tpu.memory_space<vmem>> -> memref<1x128xf32, #tpu.memory_space<vmem>>
              %dma_wait3A_172 = arith.constant 0 : i32
              %dma_wait3A_173 = arith.constant 0 : i32
              %dma_wait3A_174 = tpu.memref_slice %arg4[%dma_wait3A_172, %dma_wait3A_173] : memref<16384x128xf32, #tpu.memory_space<hbm>> -> memref<1x128xf32, #tpu.memory_space<hbm>>
              %dma_wait3A_175 = arith.constant 0 : i32
              %dma_wait3A_176 = arith.constant 0 : i32
              %dma_wait3A_177 = tpu.memref_slice %arg4[%dma_wait3A_175, %dma_wait3A_176] : memref<16384x128xf32, #tpu.memory_space<hbm>> -> memref<1x128xf32, #tpu.memory_space<hbm>>
              %dma_wait3A_178 = arith.constant 0 : i32
              %dma_wait3A_179 = arith.constant 0 : i32
              %dma_wait3A_180 = tpu.memref_slice %arg12[%dma_wait3A_178, %dma_wait3A_179] : memref<16x128xf32, #tpu.memory_space<vmem>> -> memref<1x128xf32, #tpu.memory_space<vmem>>
              tpu.wait_dma2 semaphore(%arg15 : memref<!tpu.dma_semaphore, #tpu.memory_space<semaphore_mem>>) src(%dma_wait3A_180 : memref<1x128xf32, #tpu.memory_space<vmem>>) dst(%dma_wait3A_177 : memref<1x128xf32, #tpu.memory_space<hbm>>)
            }
          } else {
          }
        }
        %while3A_119 = arith.constant 1 : i32
        scf.for %while3A_120 = %while3A_117 to %while3A_113 step %while3A_119  : i32 {
          %mul3A_121 = arith.constant 16 : i32
          %mul3A_122 = arith.muli %while3A_120, %mul3A_121 : i32
          %get3A = arith.index_cast %mul3A_122 : i32 to index
          %get3A_123 = tpu.vector_load %arg6[%get3A] {strides = array<i32>} : memref<16400xi32, #tpu.memory_space<vmem>>, vector<16xi32>,
          %mul3A_124 = arith.constant 16 : i32
          %mul3A_125 = arith.muli %while3A_120, %mul3A_124 : i32
          %add3A_126 = vector.broadcast %mul3A_125 : i32 to vector<16xi32>
          %add3A_127 = arith.addi %iota3A, %add3A_126 : vector<16xi32>
          %lt3A_128 = vector.broadcast %scan3A_30 : i32 to vector<16xi32>
          %lt3A_129 = arith.cmpi slt, %add3A_127, %lt3A_128 : vector<16xi32>
          %ge3A = vector.broadcast %mul3A_109 : i32 to vector<16xi32>
          %ge3A_130 = arith.cmpi sge, %get3A_123, %ge3A : vector<16xi32>
          %add3A_131 = arith.constant 512 : i32
          %add3A_132 = arith.addi %mul3A_109, %add3A_131 : i32
          %lt3A_133 = vector.broadcast %add3A_132 : i32 to vector<16xi32>
          %lt3A_134 = arith.cmpi slt, %get3A_123, %lt3A_133 : vector<16xi32>
          %and3A_135 = arith.andi %ge3A_130, %lt3A_134 : vector<16xi1>
          %and3A_136 = arith.andi %and3A_135, %lt3A_129 : vector<16xi1>
          %all_reduce_population_count3A = tpu.all_reduce %and3A_136 {dim = 0 : i64, kind = #tpu.reduction_kind<sum>} : vector<16xi1> -> vector<16xi32>
          %slice3A = vector.extract_strided_slice %all_reduce_population_count3A {offsets = [0], sizes = [1], strides = [1]} : vector<16xi32> to vector<1xi32>
          %squeeze3A = vector.extract %slice3A[0] : i32 from vector<1xi32>
          %gt3A = arith.constant 0 : i32
          %gt3A_137 = arith.cmpi sgt, %squeeze3A, %gt3A : i32
          %convert_element_type3A_138 = arith.extui %gt3A_137 : i1 to i32
          %cond3A_139 = arith.constant 0 : i32
          %cond3A_140 = arith.cmpi ne, %convert_element_type3A_138, %cond3A_139 : i32
          scf.if %cond3A_140 {
            %mul3A_141 = arith.constant 16 : i32
            %mul3A_142 = arith.muli %while3A_120, %mul3A_141 : i32
            %get3A_143 = arith.index_cast %mul3A_142 : i32 to index
            %get3A_144 = tpu.vector_load %arg7[%get3A_143] {strides = array<i32>} : memref<16400xi32, #tpu.memory_space<vmem>>, vector<16xi32>,
            %swap3A = arith.constant 0 : index
            %swap3A_145 = tpu.vector_load %arg10[%swap3A] masked %and3A_136 {strides = array<i32>} : memref<16xi32, #tpu.memory_space<vmem>>, vector<16xi32>, vector<16xi1>
            tpu.vector_store %arg10[%swap3A], %get3A_123 masked %and3A_136 {strides = array<i32>} : memref<16xi32, #tpu.memory_space<vmem>>, vector<16xi32>, vector<16xi1>
            %swap3A_146 = arith.constant 0 : index
            %swap3A_147 = tpu.vector_load %arg11[%swap3A_146] masked %and3A_136 {strides = array<i32>} : memref<16xi32, #tpu.memory_space<vmem>>, vector<16xi32>, vector<16xi1>
            tpu.vector_store %arg11[%swap3A_146], %get3A_144 masked %and3A_136 {strides = array<i32>} : memref<16xi32, #tpu.memory_space<vmem>>, vector<16xi32>, vector<16xi1>
            %while3A_148 = arith.constant 0 : i32
            %while3A_149 = arith.constant 0 : i32
            %while3A_150 = arith.subi %squeeze3A, %while3A_149 : i32
            %while3A_151 = arith.addi %while3A_149, %while3A_150 : i32
            %while3A_152 = arith.constant 1 : i32
            %while3A_153 = arith.divsi %while3A_150, %while3A_152 : i32
            %while3A_154 = arith.muli %while3A_153, %while3A_152 : i32
            %while3A_155 = arith.addi %while3A_149, %while3A_154 : i32
            %while3A_156 = arith.constant 1 : i32
            scf.for %while3A_168 = %while3A_149 to %while3A_155 step %while3A_156  : i32 {
              %broadcast_in_dim3A = vector.broadcast %while3A_168 : i32 to vector<16xi32>
              %gather3A = tpu.vector_load_idx %arg10[%broadcast_in_dim3A] : memref<16xi32, #tpu.memory_space<vmem>>[vector<16xi32>], vector<16xi32>,
              %sub3A_169 = vector.broadcast %mul3A_109 : i32 to vector<16xi32>
              %sub3A_170 = arith.subi %gather3A, %sub3A_169 : vector<16xi32>
              %gather3A_171 = tpu.vector_load_idx %arg11[%broadcast_in_dim3A] : memref<16xi32, #tpu.memory_space<vmem>>[vector<16xi32>], vector<16xi32>,
              %slice3A_172 = vector.extract_strided_slice %gather3A_171 {offsets = [0], sizes = [1], strides = [1]} : vector<16xi32> to vector<1xi32>
              %squeeze3A_173 = vector.extract %slice3A_172[0] : i32 from vector<1xi32>
              %add3A_174 = arith.constant 0 : i32
              %add3A_175 = vector.broadcast %add3A_174 : i32 to vector<16xi32>
              %add3A_176 = arith.addi %iota3A, %add3A_175 : vector<16xi32>
              %gather3A_177 = tpu.vector_load_idx %arg9[%add3A_176, %sub3A_170] : memref<64x512xf32, #tpu.memory_space<vmem>>[vector<16xi32>, vector<16xi32>], vector<16xf32>,
              %add3A_178 = arith.constant 0 : i32
              %add3A_179 = vector.broadcast %add3A_178 : i32 to vector<16xi32>
              %add3A_180 = arith.addi %iota3A, %add3A_179 : vector<16xi32>
              tpu.vector_store_idx %arg12[%broadcast_in_dim3A, %add3A_180], %gather3A_177 : memref<16x128xf32, #tpu.memory_space<vmem>>[vector<16xi32>, vector<16xi32>], vector<16xf32>,
              %add3A_181 = arith.constant 16 : i32
              %add3A_182 = vector.broadcast %add3A_181 : i32 to vector<16xi32>
              %add3A_183 = arith.addi %iota3A, %add3A_182 : vector<16xi32>
              %gather3A_184 = tpu.vector_load_idx %arg9[%add3A_183, %sub3A_170] : memref<64x512xf32, #tpu.memory_space<vmem>>[vector<16xi32>, vector<16xi32>], vector<16xf32>,
              %add3A_185 = arith.constant 16 : i32
              %add3A_186 = vector.broadcast %add3A_185 : i32 to vector<16xi32>
              %add3A_187 = arith.addi %iota3A, %add3A_186 : vector<16xi32>
              tpu.vector_store_idx %arg12[%broadcast_in_dim3A, %add3A_187], %gather3A_184 : memref<16x128xf32, #tpu.memory_space<vmem>>[vector<16xi32>, vector<16xi32>], vector<16xf32>,
              %add3A_188 = arith.constant 32 : i32
              %add3A_189 = vector.broadcast %add3A_188 : i32 to vector<16xi32>
              %add3A_190 = arith.addi %iota3A, %add3A_189 : vector<16xi32>
              %gather3A_191 = tpu.vector_load_idx %arg9[%add3A_190, %sub3A_170] : memref<64x512xf32, #tpu.memory_space<vmem>>[vector<16xi32>, vector<16xi32>], vector<16xf32>,
              %add3A_192 = arith.constant 32 : i32
              %add3A_193 = vector.broadcast %add3A_192 : i32 to vector<16xi32>
              %add3A_194 = arith.addi %iota3A, %add3A_193 : vector<16xi32>
              tpu.vector_store_idx %arg12[%broadcast_in_dim3A, %add3A_194], %gather3A_191 : memref<16x128xf32, #tpu.memory_space<vmem>>[vector<16xi32>, vector<16xi32>], vector<16xf32>,
              %add3A_195 = arith.constant 48 : i32
              %add3A_196 = vector.broadcast %add3A_195 : i32 to vector<16xi32>
              %add3A_197 = arith.addi %iota3A, %add3A_196 : vector<16xi32>
              %gather3A_198 = tpu.vector_load_idx %arg9[%add3A_197, %sub3A_170] : memref<64x512xf32, #tpu.memory_space<vmem>>[vector<16xi32>, vector<16xi32>], vector<16xf32>,
              %add3A_199 = arith.constant 48 : i32
              %add3A_200 = vector.broadcast %add3A_199 : i32 to vector<16xi32>
              %add3A_201 = arith.addi %iota3A, %add3A_200 : vector<16xi32>
              tpu.vector_store_idx %arg12[%broadcast_in_dim3A, %add3A_201], %gather3A_198 : memref<16x128xf32, #tpu.memory_space<vmem>>[vector<16xi32>, vector<16xi32>], vector<16xf32>,
              %dma_start3A = arith.constant 0 : i32
              %dma_start3A_202 = tpu.memref_slice %arg12[%while3A_168, %dma_start3A] : memref<16x128xf32, #tpu.memory_space<vmem>> -> memref<1x128xf32, #tpu.memory_space<vmem>>
              %dma_start3A_203 = arith.constant 0 : i32
              %dma_start3A_204 = tpu.memref_slice %arg4[%squeeze3A_173, %dma_start3A_203] : memref<16384x128xf32, #tpu.memory_space<hbm>> -> memref<1x128xf32, #tpu.memory_space<hbm>>
              %dma_start3A_205 = arith.constant 0 : i32
              %dma_start3A_206 = tpu.memref_slice %arg4[%squeeze3A_173, %dma_start3A_205] : memref<16384x128xf32, #tpu.memory_space<hbm>> -> memref<1x128xf32, #tpu.memory_space<hbm>>
              %dma_start3A_207 = arith.constant 0 : i32
              %dma_start3A_208 = tpu.memref_slice %arg12[%while3A_168, %dma_start3A_207] : memref<16x128xf32, #tpu.memory_space<vmem>> -> memref<1x128xf32, #tpu.memory_space<vmem>>
              tpu.enqueue_dma source(%dma_start3A_208 : memref<1x128xf32, #tpu.memory_space<vmem>>) target(%dma_start3A_206 : memref<1x128xf32, #tpu.memory_space<hbm>>) target_semaphore(%arg15 : memref<!tpu.dma_semaphore, #tpu.memory_space<semaphore_mem>>)
            }
            %while3A_157 = arith.constant 1 : i32
            scf.for %while3A_168 = %while3A_155 to %while3A_151 step %while3A_157  : i32 {
              %broadcast_in_dim3A = vector.broadcast %while3A_168 : i32 to vector<16xi32>
              %gather3A = tpu.vector_load_idx %arg10[%broadcast_in_dim3A] : memref<16xi32, #tpu.memory_space<vmem>>[vector<16xi32>], vector<16xi32>,
              %sub3A_169 = vector.broadcast %mul3A_109 : i32 to vector<16xi32>
              %sub3A_170 = arith.subi %gather3A, %sub3A_169 : vector<16xi32>
              %gather3A_171 = tpu.vector_load_idx %arg11[%broadcast_in_dim3A] : memref<16xi32, #tpu.memory_space<vmem>>[vector<16xi32>], vector<16xi32>,
              %slice3A_172 = vector.extract_strided_slice %gather3A_171 {offsets = [0], sizes = [1], strides = [1]} : vector<16xi32> to vector<1xi32>
              %squeeze3A_173 = vector.extract %slice3A_172[0] : i32 from vector<1xi32>
              %add3A_174 = arith.constant 0 : i32
              %add3A_175 = vector.broadcast %add3A_174 : i32 to vector<16xi32>
              %add3A_176 = arith.addi %iota3A, %add3A_175 : vector<16xi32>
              %gather3A_177 = tpu.vector_load_idx %arg9[%add3A_176, %sub3A_170] : memref<64x512xf32, #tpu.memory_space<vmem>>[vector<16xi32>, vector<16xi32>], vector<16xf32>,
              %add3A_178 = arith.constant 0 : i32
              %add3A_179 = vector.broadcast %add3A_178 : i32 to vector<16xi32>
              %add3A_180 = arith.addi %iota3A, %add3A_179 : vector<16xi32>
              tpu.vector_store_idx %arg12[%broadcast_in_dim3A, %add3A_180], %gather3A_177 : memref<16x128xf32, #tpu.memory_space<vmem>>[vector<16xi32>, vector<16xi32>], vector<16xf32>,
              %add3A_181 = arith.constant 16 : i32
              %add3A_182 = vector.broadcast %add3A_181 : i32 to vector<16xi32>
              %add3A_183 = arith.addi %iota3A, %add3A_182 : vector<16xi32>
              %gather3A_184 = tpu.vector_load_idx %arg9[%add3A_183, %sub3A_170] : memref<64x512xf32, #tpu.memory_space<vmem>>[vector<16xi32>, vector<16xi32>], vector<16xf32>,
              %add3A_185 = arith.constant 16 : i32
              %add3A_186 = vector.broadcast %add3A_185 : i32 to vector<16xi32>
              %add3A_187 = arith.addi %iota3A, %add3A_186 : vector<16xi32>
              tpu.vector_store_idx %arg12[%broadcast_in_dim3A, %add3A_187], %gather3A_184 : memref<16x128xf32, #tpu.memory_space<vmem>>[vector<16xi32>, vector<16xi32>], vector<16xf32>,
              %add3A_188 = arith.constant 32 : i32
              %add3A_189 = vector.broadcast %add3A_188 : i32 to vector<16xi32>
              %add3A_190 = arith.addi %iota3A, %add3A_189 : vector<16xi32>
              %gather3A_191 = tpu.vector_load_idx %arg9[%add3A_190, %sub3A_170] : memref<64x512xf32, #tpu.memory_space<vmem>>[vector<16xi32>, vector<16xi32>], vector<16xf32>,
              %add3A_192 = arith.constant 32 : i32
              %add3A_193 = vector.broadcast %add3A_192 : i32 to vector<16xi32>
              %add3A_194 = arith.addi %iota3A, %add3A_193 : vector<16xi32>
              tpu.vector_store_idx %arg12[%broadcast_in_dim3A, %add3A_194], %gather3A_191 : memref<16x128xf32, #tpu.memory_space<vmem>>[vector<16xi32>, vector<16xi32>], vector<16xf32>,
              %add3A_195 = arith.constant 48 : i32
              %add3A_196 = vector.broadcast %add3A_195 : i32 to vector<16xi32>
              %add3A_197 = arith.addi %iota3A, %add3A_196 : vector<16xi32>
              %gather3A_198 = tpu.vector_load_idx %arg9[%add3A_197, %sub3A_170] : memref<64x512xf32, #tpu.memory_space<vmem>>[vector<16xi32>, vector<16xi32>], vector<16xf32>,
              %add3A_199 = arith.constant 48 : i32
              %add3A_200 = vector.broadcast %add3A_199 : i32 to vector<16xi32>
              %add3A_201 = arith.addi %iota3A, %add3A_200 : vector<16xi32>
              tpu.vector_store_idx %arg12[%broadcast_in_dim3A, %add3A_201], %gather3A_198 : memref<16x128xf32, #tpu.memory_space<vmem>>[vector<16xi32>, vector<16xi32>], vector<16xf32>,
              %dma_start3A = arith.constant 0 : i32
              %dma_start3A_202 = tpu.memref_slice %arg12[%while3A_168, %dma_start3A] : memref<16x128xf32, #tpu.memory_space<vmem>> -> memref<1x128xf32, #tpu.memory_space<vmem>>
              %dma_start3A_203 = arith.constant 0 : i32
              %dma_start3A_204 = tpu.memref_slice %arg4[%squeeze3A_173, %dma_start3A_203] : memref<16384x128xf32, #tpu.memory_space<hbm>> -> memref<1x128xf32, #tpu.memory_space<hbm>>
              %dma_start3A_205 = arith.constant 0 : i32
              %dma_start3A_206 = tpu.memref_slice %arg4[%squeeze3A_173, %dma_start3A_205] : memref<16384x128xf32, #tpu.memory_space<hbm>> -> memref<1x128xf32, #tpu.memory_space<hbm>>
              %dma_start3A_207 = arith.constant 0 : i32
              %dma_start3A_208 = tpu.memref_slice %arg12[%while3A_168, %dma_start3A_207] : memref<16x128xf32, #tpu.memory_space<vmem>> -> memref<1x128xf32, #tpu.memory_space<vmem>>
              tpu.enqueue_dma source(%dma_start3A_208 : memref<1x128xf32, #tpu.memory_space<vmem>>) target(%dma_start3A_206 : memref<1x128xf32, #tpu.memory_space<hbm>>) target_semaphore(%arg15 : memref<!tpu.dma_semaphore, #tpu.memory_space<semaphore_mem>>)
            }
            %while3A_158 = arith.constant 0 : i32
            %while3A_159 = arith.constant 0 : i32
            %while3A_160 = arith.subi %squeeze3A, %while3A_159 : i32
            %while3A_161 = arith.addi %while3A_159, %while3A_160 : i32
            %while3A_162 = arith.constant 1 : i32
            %while3A_163 = arith.divsi %while3A_160, %while3A_162 : i32
            %while3A_164 = arith.muli %while3A_163, %while3A_162 : i32
            %while3A_165 = arith.addi %while3A_159, %while3A_164 : i32
            %while3A_166 = arith.constant 1 : i32
            scf.for %while3A_168 = %while3A_159 to %while3A_165 step %while3A_166  : i32 {
              %dma_wait3A_169 = arith.constant 0 : i32
              %dma_wait3A_170 = arith.constant 0 : i32
              %dma_wait3A_171 = tpu.memref_slice %arg12[%dma_wait3A_169, %dma_wait3A_170] : memref<16x128xf32, #tpu.memory_space<vmem>> -> memref<1x128xf32, #tpu.memory_space<vmem>>
              %dma_wait3A_172 = arith.constant 0 : i32
              %dma_wait3A_173 = arith.constant 0 : i32
              %dma_wait3A_174 = tpu.memref_slice %arg4[%dma_wait3A_172, %dma_wait3A_173] : memref<16384x128xf32, #tpu.memory_space<hbm>> -> memref<1x128xf32, #tpu.memory_space<hbm>>
              %dma_wait3A_175 = arith.constant 0 : i32
              %dma_wait3A_176 = arith.constant 0 : i32
              %dma_wait3A_177 = tpu.memref_slice %arg4[%dma_wait3A_175, %dma_wait3A_176] : memref<16384x128xf32, #tpu.memory_space<hbm>> -> memref<1x128xf32, #tpu.memory_space<hbm>>
              %dma_wait3A_178 = arith.constant 0 : i32
              %dma_wait3A_179 = arith.constant 0 : i32
              %dma_wait3A_180 = tpu.memref_slice %arg12[%dma_wait3A_178, %dma_wait3A_179] : memref<16x128xf32, #tpu.memory_space<vmem>> -> memref<1x128xf32, #tpu.memory_space<vmem>>
              tpu.wait_dma2 semaphore(%arg15 : memref<!tpu.dma_semaphore, #tpu.memory_space<semaphore_mem>>) src(%dma_wait3A_180 : memref<1x128xf32, #tpu.memory_space<vmem>>) dst(%dma_wait3A_177 : memref<1x128xf32, #tpu.memory_space<hbm>>)
            }
            %while3A_167 = arith.constant 1 : i32
            scf.for %while3A_168 = %while3A_165 to %while3A_161 step %while3A_167  : i32 {
              %dma_wait3A_169 = arith.constant 0 : i32
              %dma_wait3A_170 = arith.constant 0 : i32
              %dma_wait3A_171 = tpu.memref_slice %arg12[%dma_wait3A_169, %dma_wait3A_170] : memref<16x128xf32, #tpu.memory_space<vmem>> -> memref<1x128xf32, #tpu.memory_space<vmem>>
              %dma_wait3A_172 = arith.constant 0 : i32
              %dma_wait3A_173 = arith.constant 0 : i32
              %dma_wait3A_174 = tpu.memref_slice %arg4[%dma_wait3A_172, %dma_wait3A_173] : memref<16384x128xf32, #tpu.memory_space<hbm>> -> memref<1x128xf32, #tpu.memory_space<hbm>>
              %dma_wait3A_175 = arith.constant 0 : i32
              %dma_wait3A_176 = arith.constant 0 : i32
              %dma_wait3A_177 = tpu.memref_slice %arg4[%dma_wait3A_175, %dma_wait3A_176] : memref<16384x128xf32, #tpu.memory_space<hbm>> -> memref<1x128xf32, #tpu.memory_space<hbm>>
              %dma_wait3A_178 = arith.constant 0 : i32
              %dma_wait3A_179 = arith.constant 0 : i32
              %dma_wait3A_180 = tpu.memref_slice %arg12[%dma_wait3A_178, %dma_wait3A_179] : memref<16x128xf32, #tpu.memory_space<vmem>> -> memref<1x128xf32, #tpu.memory_space<vmem>>
              tpu.wait_dma2 semaphore(%arg15 : memref<!tpu.dma_semaphore, #tpu.memory_space<semaphore_mem>>) src(%dma_wait3A_180 : memref<1x128xf32, #tpu.memory_space<vmem>>) dst(%dma_wait3A_177 : memref<1x128xf32, #tpu.memory_space<hbm>>)
            }
          } else {
          }
        }
      } else {
      }
      %add3A_95 = arith.constant 2 : i32
      %add3A_96 = arith.addi %add3A_67, %add3A_95 : i32
      %lt3A_97 = arith.cmpi slt, %add3A_96, %select_n3A_11 : i32
      %convert_element_type3A_98 = arith.extui %lt3A_97 : i1 to i32
      %cond3A_99 = arith.constant 0 : i32
      %cond3A_100 = arith.cmpi ne, %convert_element_type3A_98, %cond3A_99 : i32
      scf.if %cond3A_100 {
        %add3A_101 = arith.addi %select_n3A, %add3A_96 : i32
        %mul3A_102 = arith.constant 512 : i32
        %mul3A_103 = arith.muli %add3A_101, %mul3A_102 : i32
        %dma_start3A = arith.constant 0 : i32
        %dma_start3A_104 = tpu.memref_slice %arg3[%dma_start3A, %mul3A_103] : memref<64x1000000xf32, #tpu.memory_space<hbm>> -> memref<64x512xf32, #tpu.memory_space<hbm>>
        %dma_start3A_105 = arith.constant 0 : i32
        %dma_start3A_106 = tpu.memref_slice %arg3[%dma_start3A_105, %mul3A_103] : memref<64x1000000xf32, #tpu.memory_space<hbm>> -> memref<64x512xf32, #tpu.memory_space<hbm>>
        tpu.enqueue_dma source(%dma_start3A_106 : memref<64x512xf32, #tpu.memory_space<hbm>>) target(%arg9 : memref<64x512xf32, #tpu.memory_space<vmem>>) target_semaphore(%arg14 : memref<!tpu.dma_semaphore, #tpu.memory_space<semaphore_mem>>)
      } else {
      }
    }
    %scan3A_60 = arith.constant 31 : i32
    return
  }
}

module attributes {stable_mosaic.version = 14 : i64} {
  func.func @_mlp_body(%arg0: i32, %arg1: memref<4096x128xf32, #tpu.memory_space<vmem>>, %arg2: memref<4096x1xi32, #tpu.memory_space<vmem>>, %arg3: memref<64x64xf32, #tpu.memory_space<vmem>>, %arg4: memref<64x128xf32, #tpu.memory_space<vmem>>, %arg5: memref<1x128xf32, #tpu.memory_space<vmem>>, %arg6: memref<128x128xf32, #tpu.memory_space<vmem>>, %arg7: memref<1x128xf32, #tpu.memory_space<vmem>>, %arg8: memref<128x64xf32, #tpu.memory_space<vmem>>, %arg9: memref<1x64xf32, #tpu.memory_space<vmem>>, %arg10: memref<4096x64xf32, #tpu.memory_space<vmem>>) attributes {dimension_semantics = [#tpu.dimension_semantics<parallel>], iteration_bounds = array<i64: 4>, scalar_prefetch = 0 : i64, scratch_operands = 0 : i64, tpu.core_type = #tpu.core_type<tc>, window_params = [{transform_indices = @transform_0, window_bounds = array<i64: 4096, 128>}, {transform_indices = @transform_1, window_bounds = array<i64: 4096, 1>}, {pipeline_mode = #tpu.pipeline_mode<synchronous>, transform_indices = @transform_2, window_bounds = array<i64: 64, 64>}, {pipeline_mode = #tpu.pipeline_mode<synchronous>, transform_indices = @transform_3, window_bounds = array<i64: 64, 128>}, {pipeline_mode = #tpu.pipeline_mode<synchronous>, transform_indices = @transform_4, window_bounds = array<i64: 1, 128>}, {pipeline_mode = #tpu.pipeline_mode<synchronous>, transform_indices = @transform_5, window_bounds = array<i64: 128, 128>}, {pipeline_mode = #tpu.pipeline_mode<synchronous>, transform_indices = @transform_6, window_bounds = array<i64: 1, 128>}, {pipeline_mode = #tpu.pipeline_mode<synchronous>, transform_indices = @transform_7, window_bounds = array<i64: 128, 64>}, {pipeline_mode = #tpu.pipeline_mode<synchronous>, transform_indices = @transform_8, window_bounds = array<i64: 1, 64>}, {transform_indices = @transform_9, window_bounds = array<i64: 4096, 64>}]} {
    %get3A = arith.constant 0 : index
    %get3A_0 = arith.constant 0 : index
    %get3A_1 = vector.load %arg2[%get3A, %get3A_0] : memref<4096x1xi32, #tpu.memory_space<vmem>>, vector<4096x1xi32>
    %lt3A = arith.constant 999936 : i32
    %lt3A_2 = vector.broadcast %lt3A : i32 to vector<4096x1xi32>
    %lt3A_3 = arith.cmpi slt, %get3A_1, %lt3A_2 : vector<4096x1xi32>
    %convert_element_type3A = arith.extui %lt3A_3 : vector<4096x1xi1> to vector<4096x1xi32>
    %convert_element_type3A_4 = arith.sitofp %convert_element_type3A : vector<4096x1xi32> to vector<4096x1xf32>
    %sub3A = arith.constant 999936 : i32
    %sub3A_5 = vector.broadcast %sub3A : i32 to vector<4096x1xi32>
    %sub3A_6 = arith.subi %get3A_1, %sub3A_5 : vector<4096x1xi32>
    %iota3A = tpu.iota {dimensions = array<i32: 1>} : vector<4096x64xi32>
    %eq3A = vector.broadcast %sub3A_6 : vector<4096x1xi32> to vector<4096x64xi32>
    %eq3A_7 = arith.cmpi eq, %eq3A, %iota3A : vector<4096x64xi32>
    %convert_element_type3A_8 = arith.extui %eq3A_7 : vector<4096x64xi1> to vector<4096x64xi32>
    %convert_element_type3A_9 = arith.sitofp %convert_element_type3A_8 : vector<4096x64xi32> to vector<4096x64xf32>
    %get3A_10 = arith.constant 0 : index
    %get3A_11 = arith.constant 0 : index
    %get3A_12 = vector.load %arg3[%get3A_10, %get3A_11] : memref<64x64xf32, #tpu.memory_space<vmem>>, vector<64x64xf32>
    %dot_general3A = arith.constant dense<0.000000e+00> : vector<4096x64xf32>
    %dot_general3A_13 = tpu.matmul %convert_element_type3A_9, %get3A_12, %dot_general3A {dimension_numbers = #tpu.dot_dimension_numbers<[1], [0], [0], [1], [0, 0, 1, 1], [], []>, transpose_lhs_hint = false} : vector<4096x64xf32>, vector<64x64xf32>, vector<4096x64xf32> -> vector<4096x64xf32>
    %get3A_14 = arith.constant 0 : index
    %get3A_15 = arith.constant 0 : index
    %get3A_16 = vector.load %arg1[%get3A_14, %get3A_15] : memref<4096x128xf32, #tpu.memory_space<vmem>>, vector<4096x64xf32>
    %mul3A = vector.broadcast %convert_element_type3A_4 : vector<4096x1xf32> to vector<4096x64xf32>
    %mul3A_17 = arith.mulf %get3A_16, %mul3A : vector<4096x64xf32>
    %add3A = arith.addf %mul3A_17, %dot_general3A_13 : vector<4096x64xf32>
    %mul3A_18 = arith.mulf %add3A, %add3A : vector<4096x64xf32>
    %reduce_sum3A = arith.constant dense<0.000000e+00> : vector<4096xf32>
    %reduce_sum3A_19 = vector.multi_reduction <add>, %mul3A_18, %reduce_sum3A [1] : vector<4096x64xf32> to vector<4096xf32>
    %broadcast_in_dim3A = vector.shape_cast %reduce_sum3A_19 : vector<4096xf32> to vector<4096x1xf32>
    %sqrt3A = math.sqrt %broadcast_in_dim3A : vector<4096x1xf32>
    %max3A = arith.constant 1.000000e-16 : f32
    %max3A_20 = vector.broadcast %max3A : f32 to vector<4096x1xf32>
    %max3A_21 = arith.maximumf %sqrt3A, %max3A_20 : vector<4096x1xf32>
    %div3A = vector.broadcast %max3A_21 : vector<4096x1xf32> to vector<4096x64xf32>
    %div3A_22 = arith.divf %add3A, %div3A : vector<4096x64xf32>
    %get3A_23 = arith.constant 0 : index
    %get3A_24 = arith.constant 0 : index
    %get3A_25 = vector.load %arg4[%get3A_23, %get3A_24] : memref<64x128xf32, #tpu.memory_space<vmem>>, vector<64x128xf32>
    %dot_general3A_26 = arith.constant dense<0.000000e+00> : vector<4096x128xf32>
    %dot_general3A_27 = tpu.matmul %div3A_22, %get3A_25, %dot_general3A_26 {dimension_numbers = #tpu.dot_dimension_numbers<[1], [0], [0], [1], [0, 0, 1, 1], [], []>, transpose_lhs_hint = false} : vector<4096x64xf32>, vector<64x128xf32>, vector<4096x128xf32> -> vector<4096x128xf32>
    %get3A_28 = arith.constant 0 : index
    %get3A_29 = arith.constant 0 : index
    %get3A_30 = vector.load %arg5[%get3A_28, %get3A_29] : memref<1x128xf32, #tpu.memory_space<vmem>>, vector<1x128xf32>
    %add3A_31 = vector.broadcast %get3A_30 : vector<1x128xf32> to vector<4096x128xf32>
    %add3A_32 = arith.addf %dot_general3A_27, %add3A_31 : vector<4096x128xf32>
    %logistic3A = arith.negf %add3A_32 : vector<4096x128xf32>
    %logistic3A_33 = math.exp %logistic3A : vector<4096x128xf32>
    %logistic3A_34 = arith.constant 1.000000e+00 : f32
    %logistic3A_35 = vector.broadcast %logistic3A_34 : f32 to vector<4096x128xf32>
    %logistic3A_36 = arith.addf %logistic3A_35, %logistic3A_33 : vector<4096x128xf32>
    %logistic3A_37 = arith.divf %logistic3A_35, %logistic3A_36 : vector<4096x128xf32>
    %mul3A_38 = arith.mulf %add3A_32, %logistic3A_37 : vector<4096x128xf32>
    %get3A_39 = arith.constant 0 : index
    %get3A_40 = arith.constant 0 : index
    %get3A_41 = vector.load %arg6[%get3A_39, %get3A_40] : memref<128x128xf32, #tpu.memory_space<vmem>>, vector<128x128xf32>
    %dot_general3A_42 = arith.constant dense<0.000000e+00> : vector<4096x128xf32>
    %dot_general3A_43 = tpu.matmul %mul3A_38, %get3A_41, %dot_general3A_42 {dimension_numbers = #tpu.dot_dimension_numbers<[1], [0], [0], [1], [0, 0, 1, 1], [], []>, transpose_lhs_hint = false} : vector<4096x128xf32>, vector<128x128xf32>, vector<4096x128xf32> -> vector<4096x128xf32>
    %get3A_44 = arith.constant 0 : index
    %get3A_45 = arith.constant 0 : index
    %get3A_46 = vector.load %arg7[%get3A_44, %get3A_45] : memref<1x128xf32, #tpu.memory_space<vmem>>, vector<1x128xf32>
    %add3A_47 = vector.broadcast %get3A_46 : vector<1x128xf32> to vector<4096x128xf32>
    %add3A_48 = arith.addf %dot_general3A_43, %add3A_47 : vector<4096x128xf32>
    %logistic3A_49 = arith.negf %add3A_48 : vector<4096x128xf32>
    %logistic3A_50 = math.exp %logistic3A_49 : vector<4096x128xf32>
    %logistic3A_51 = arith.constant 1.000000e+00 : f32
    %logistic3A_52 = vector.broadcast %logistic3A_51 : f32 to vector<4096x128xf32>
    %logistic3A_53 = arith.addf %logistic3A_52, %logistic3A_50 : vector<4096x128xf32>
    %logistic3A_54 = arith.divf %logistic3A_52, %logistic3A_53 : vector<4096x128xf32>
    %mul3A_55 = arith.mulf %add3A_48, %logistic3A_54 : vector<4096x128xf32>
    %get3A_56 = arith.constant 0 : index
    %get3A_57 = arith.constant 0 : index
    %get3A_58 = vector.load %arg8[%get3A_56, %get3A_57] : memref<128x64xf32, #tpu.memory_space<vmem>>, vector<128x64xf32>
    %dot_general3A_59 = arith.constant dense<0.000000e+00> : vector<4096x64xf32>
    %dot_general3A_60 = tpu.matmul %mul3A_55, %get3A_58, %dot_general3A_59 {dimension_numbers = #tpu.dot_dimension_numbers<[1], [0], [0], [1], [0, 0, 1, 1], [], []>, transpose_lhs_hint = false} : vector<4096x128xf32>, vector<128x64xf32>, vector<4096x64xf32> -> vector<4096x64xf32>
    %get3A_61 = arith.constant 0 : index
    %get3A_62 = arith.constant 0 : index
    %get3A_63 = vector.load %arg9[%get3A_61, %get3A_62] : memref<1x64xf32, #tpu.memory_space<vmem>>, vector<1x64xf32>
    %add3A_64 = vector.broadcast %get3A_63 : vector<1x64xf32> to vector<4096x64xf32>
    %add3A_65 = arith.addf %dot_general3A_60, %add3A_64 : vector<4096x64xf32>
    %mul3A_66 = arith.mulf %add3A_65, %add3A_65 : vector<4096x64xf32>
    %reduce_sum3A_67 = arith.constant dense<0.000000e+00> : vector<4096xf32>
    %reduce_sum3A_68 = vector.multi_reduction <add>, %mul3A_66, %reduce_sum3A_67 [1] : vector<4096x64xf32> to vector<4096xf32>
    %broadcast_in_dim3A_69 = vector.shape_cast %reduce_sum3A_68 : vector<4096xf32> to vector<4096x1xf32>
    %sqrt3A_70 = math.sqrt %broadcast_in_dim3A_69 : vector<4096x1xf32>
    %max3A_71 = arith.constant 1.000000e-16 : f32
    %max3A_72 = vector.broadcast %max3A_71 : f32 to vector<4096x1xf32>
    %max3A_73 = arith.maximumf %sqrt3A_70, %max3A_72 : vector<4096x1xf32>
    %div3A_74 = vector.broadcast %max3A_73 : vector<4096x1xf32> to vector<4096x64xf32>
    %div3A_75 = arith.divf %add3A_65, %div3A_74 : vector<4096x64xf32>
    %swap3A = arith.constant 0 : index
    %swap3A_76 = arith.constant 0 : index
    %swap3A_77 = vector.load %arg10[%swap3A, %swap3A_76] : memref<4096x64xf32, #tpu.memory_space<vmem>>, vector<4096x64xf32>
    tpu.vector_store %arg10[%swap3A, %swap3A_76], %div3A_75 {strides = array<i32>} : memref<4096x64xf32, #tpu.memory_space<vmem>>, vector<4096x64xf32>,
    return
  }
  func.func @transform_0(%arg0: i32) -> (i32, i32) {
    %c0_i32 = arith.constant 0 : i32
    %c0_i32_0 = arith.constant 0 : i32
    return %arg0, %c0_i32 : i32, i32
  }
  func.func @transform_1(%arg0: i32) -> (i32, i32) {
    %c0_i32 = arith.constant 0 : i32
    %c0_i32_0 = arith.constant 0 : i32
    return %arg0, %c0_i32 : i32, i32
  }
  func.func @transform_2(%arg0: i32) -> (i32, i32) {
    %c0_i32 = arith.constant 0 : i32
    %c0_i32_0 = arith.constant 0 : i32
    %c0_i32_1 = arith.constant 0 : i32
    return %c0_i32, %c0_i32_0 : i32, i32
  }
  func.func @transform_3(%arg0: i32) -> (i32, i32) {
    %c0_i32 = arith.constant 0 : i32
    %c0_i32_0 = arith.constant 0 : i32
    %c0_i32_1 = arith.constant 0 : i32
    return %c0_i32, %c0_i32_0 : i32, i32
  }
  func.func @transform_4(%arg0: i32) -> (i32, i32) {
    %c0_i32 = arith.constant 0 : i32
    %c0_i32_0 = arith.constant 0 : i32
    %c0_i32_1 = arith.constant 0 : i32
    return %c0_i32, %c0_i32_0 : i32, i32
  }
  func.func @transform_5(%arg0: i32) -> (i32, i32) {
    %c0_i32 = arith.constant 0 : i32
    %c0_i32_0 = arith.constant 0 : i32
    %c0_i32_1 = arith.constant 0 : i32
    return %c0_i32, %c0_i32_0 : i32, i32
  }
  func.func @transform_6(%arg0: i32) -> (i32, i32) {
    %c0_i32 = arith.constant 0 : i32
    %c0_i32_0 = arith.constant 0 : i32
    %c0_i32_1 = arith.constant 0 : i32
    return %c0_i32, %c0_i32_0 : i32, i32
  }
  func.func @transform_7(%arg0: i32) -> (i32, i32) {
    %c0_i32 = arith.constant 0 : i32
    %c0_i32_0 = arith.constant 0 : i32
    %c0_i32_1 = arith.constant 0 : i32
    return %c0_i32, %c0_i32_0 : i32, i32
  }
  func.func @transform_8(%arg0: i32) -> (i32, i32) {
    %c0_i32 = arith.constant 0 : i32
    %c0_i32_0 = arith.constant 0 : i32
    %c0_i32_1 = arith.constant 0 : i32
    return %c0_i32, %c0_i32_0 : i32, i32
  }
  func.func @transform_9(%arg0: i32) -> (i32, i32) {
    %c0_i32 = arith.constant 0 : i32
    %c0_i32_0 = arith.constant 0 : i32
    return %arg0, %c0_i32 : i32, i32
  }
}

</mosaic_0001>

<sc_bundles>
// kernel: kernel.4.cloned.1.call-start
scs
__scs_entry_jumppad:
0x0: {  	(pc) =	sbr.rel $0x88, $3  }
0x1: {  	(tag) =	ssettag $0x0;
	lr =	simm.s32 $0x1  }
0x2: {  	[smem:$0x3F99] =	sst lr;
	_ =	strace $0xD0000000  }
0x3: {  	_ = 	snop  }
0x4: {  	_ = 	snop  }
0x5: {  	_ = 	snop  }
0x6: {  	_ = 	snop  }
0x7: {  	_ = 	snop  }
__scs_overlays_trampoline_lowered:
0x8: {  	[smem:$0x3FA8] =	sst s0  }
0x9: {  	[smem:$0x3FA9] =	sst s1  }
0xa: {  	[smem:$0x3FAA] =	sst s2  }
0xb: {  	[smem:$0x3FAB] =	sst s3  }
0xc: {  	[smem:$0x3FAC] =	sst s4  }
0xd: {  	[smem:$0x3FAD] =	sst s5  }
0xe: {  	[smem:$0x3FAE] =	sst s6  }
0xf: {  	[smem:$0x3FAF] =	sst s7  }
0x10: {  	[smem:$0x3FB0] =	sst s8  }
0x11: {  	[smem:$0x3FB1] =	sst s9;
	s0 =	simm.s32 @!p0 $0x0  }
0x12: {  	s1 =	sld [smem:$0x3F97];
	s0 =	simm.s32 @p0 $0x1  }
0x13: {  	[smem:$0x3FB2] =	sst s0;
	s0 =	simm.s32 @!p1 $0x0  }
0x14: {  	s2 =	sld [smem:$0x3F96];
	s0 =	simm.s32 @p1 $0x1  }
0x15: {  	[smem:$0x3FB3] =	sst s0;
	s0 =	simm.s32 @!p2 $0x0  }
0x16: {  	s3 =	sld [smem:$0x3FDB];
	s0 =	simm.s32 @p2 $0x1  }
0x17: {  	s4 =	simm.s32 $0x1BF5;
	[smem:$0x3FB5] =	sst s0  }
0x18: {  	s0 =	sld [smem:$0x3F98];
	_ =	swait.ge [sflag:s4], $0x0  }
0x19: {  	s7 =	sld [smem:$0x3F99]  }
0x1a: {  	s8 =	sadd.s32 $0xFFFFE003, lr  }
0x1b: {  	s9 =	sadd.s32 $0xFFFFFEF7, lr;
	s5 =	simm.s32 $0xFFFFFFFF;
	p2 =	slt.u32 s8, $0xFFFFF086  }
0x1c: {  	p1 =	slt.u32 s9, $0xF7A;
	s5 =	simm.s32 @!p2 $0x0  }
0x1d: {  	s5 =	simm.s32 @p1 $0x1;
	p0 =	seq.s32 s7, s2  }
0x1e: {  	s7 =	smul.u32 @!p0 $0xF7A, s2;
	p2 =	seq.s32 @!p0 s5, $0x0  }
0x1f: {  	s9 =	smul.u32 $0xF7A, s1;
	s8 =	simm.s32 @!p0 $0x1BF5;
	p2 =	por !p2, p0  }
0x20: {  	[sflag:s8] =	ssyncset.s32 @!p0 $0xFFFFF086;
	s6 =	sadd.s32 @!p0 s3, s7;
	s7 =	simm.s32 @!p0 $0x108  }
0x21: {  	s3 =	sadd.s32 s3, s9;
	s6 =	sadd.s32 @!p0 $0x88, s6;
	s7 =	simm.s32 @p2 $0x1082  }
0x22: {  	[simem:s7], [sflag:s8] =	dma.local @!p0 [hbm:s6], $0xF7A  }
0x23: {  	s9 =	sor.u32 $0xD0000000, s2;
	s6 =	simm.s32 $0x108;
	_ =	swait.ge @!p0 [sflag:s8], $0x0  }
0x24: {  	s3 =	sadd.s32 $0x88, s3;
	s6 =	simm.s32 @!p1 $0x1082;
	[sflag:s4] =	ssyncset.s32 $0xFFFFF086  }
0x25: {  	[simem:s6], [sflag:s4] =	dma.local [hbm:s3], $0xF7A  }
0x26: {  	[smem:$0x3F99] =	sst s1;
	(tag) =	ssettag s2;
	_ =	strace s9  }
0x27: {  	s1 =	sld [smem:$0x3FA9]  }
0x28: {  	s2 =	sld [smem:$0x3FAA]  }
0x29: {  	s4 =	sld [smem:$0x3FAC]  }
0x2a: {  	p0 =	seq.s32 s5, $0x0;
	s5 =	sld [smem:$0x3FAD]  }
0x2b: {  	s6 =	sld [smem:$0x3FAE]  }
0x2c: {  	s7 =	sld [smem:$0x3FAF]  }
0x2d: {  	s3 =	simm.s32 $0x108;
	s8 =	sld [smem:$0x3FB0]  }
0x2e: {  	s3 =	simm.s32 @!p0 $0x1082;
	s9 =	sld [smem:$0x3FB1]  }
0x2f: {  	lr =	sadd.s32 s0, s3;
	s0 =	sld [smem:$0x3FA8]  }
0x30: {  	s3 =	sld [smem:$0x3FAB]  }
0x31: {  	[smem:$0x3FB4] =	sst s10  }
0x32: {  	s10 =	sld [smem:$0x3FB2];
	_ =	sdelay $0x3  }
0x33: {  	p0 =	seq.s32 s10, $0x1;
	s10 =	sld [smem:$0x3FB4];
	_ =	sdelay $0x3  }
0x34: {  	[smem:$0x3FB4] =	sst s10  }
0x35: {  	s10 =	sld [smem:$0x3FB3];
	_ =	sdelay $0x3  }
0x36: {  	p1 =	seq.s32 s10, $0x1;
	s10 =	sld [smem:$0x3FB4];
	_ =	sdelay $0x3  }
0x37: {  	[smem:$0x3FB4] =	sst s10  }
0x38: {  	s10 =	sld [smem:$0x3FB5]  }
0x39: {  	_ = 	snop;
	(pc) =	sbr.ind lr, $3  }
0x3a: {  	_ = 	snop  }
0x3b: {  	_ = 	snop  }
0x3c: {  	p2 =	seq.s32 s10, $0x1;
	s10 =	sld [smem:$0x3FB4]  }
0x3d: {  	_ =	shalt  }
0x3e: {  	_ =	shalt  }
0x3f: {  	_ =	shalt  }
0x40: {  	_ =	shalt  }
0x41: {  	_ =	shalt  }
0x42: {  	_ =	shalt  }
0x43: {  	_ =	shalt  }
0x44: {  	_ =	shalt  }
0x45: {  	_ =	shalt  }
0x46: {  	_ =	shalt  }
0x47: {  	_ =	shalt  }
0x48: {  	_ =	shalt  }
0x49: {  	_ =	shalt  }
0x4a: {  	_ =	shalt  }
0x4b: {  	_ =	shalt  }
0x4c: {  	_ =	shalt  }
0x4d: {  	_ =	shalt  }
0x4e: {  	_ =	shalt  }
0x4f: {  	_ =	shalt  }
0x50: {  	_ =	shalt  }
0x51: {  	_ =	shalt  }
0x52: {  	_ =	shalt  }
0x53: {  	_ =	shalt  }
0x54: {  	_ =	shalt  }
0x55: {  	_ =	shalt  }
0x56: {  	_ =	shalt  }
0x57: {  	_ =	shalt  }
0x58: {  	_ =	shalt  }
0x59: {  	_ =	shalt  }
0x5a: {  	_ =	shalt  }
0x5b: {  	_ =	shalt  }
0x5c: {  	_ =	shalt  }
0x5d: {  	_ =	shalt  }
0x5e: {  	_ =	shalt  }
0x5f: {  	_ =	shalt  }
0x60: {  	_ =	shalt  }
0x61: {  	_ =	shalt  }
0x62: {  	_ =	shalt  }
0x63: {  	_ =	shalt  }
0x64: {  	_ =	shalt  }
0x65: {  	_ =	shalt  }
0x66: {  	_ =	shalt  }
0x67: {  	_ =	shalt  }
0x68: {  	_ =	shalt  }
0x69: {  	_ =	shalt  }
0x6a: {  	_ =	shalt  }
0x6b: {  	_ =	shalt  }
0x6c: {  	_ =	shalt  }
0x6d: {  	_ =	shalt  }
0x6e: {  	_ =	shalt  }
0x6f: {  	_ =	shalt  }
0x70: {  	_ =	shalt  }
0x71: {  	_ =	shalt  }
0x72: {  	_ =	shalt  }
0x73: {  	_ =	shalt  }
0x74: {  	_ =	shalt  }
0x75: {  	_ =	shalt  }
0x76: {  	_ =	shalt  }
0x77: {  	_ =	shalt  }
0x78: {  	_ =	shalt  }
0x79: {  	_ =	shalt  }
0x7a: {  	_ =	shalt  }
0x7b: {  	_ =	shalt  }
0x7c: {  	_ =	shalt  }
0x7d: {  	_ =	shalt  }
0x7e: {  	_ =	shalt  }
0x7f: {  	_ =	shalt  }
0x80: {  	_ =	shalt  }
0x81: {  	_ =	shalt  }
0x82: {  	_ =	shalt  }
0x83: {  	_ =	shalt  }
0x84: {  	_ =	shalt  }
0x85: {  	_ =	shalt  }
0x86: {  	_ =	shalt  }
0x87: {  	_ =	shalt  }
.Lfunc_end0:
.L_simem_size_0:
called_computation_lowered:
.L_overlay_start_0:
0x88: {  	s2 =	sld [smem:$0x3FD9]  }
0x89: {  	s3 =	sld [smem:$0x3FFE];
	_ =	sdelay $0x1  }
0x8a: {  	s1 =	srdreg.scid  }
0x8b: {  	s0 =	sand.u32 $0x1, s1  }
0x8c: {  	s17 =	sshll.u32 s0, $0xA;
	s2 =	sadd.s32 s3, s2  }
0x8d: {  	s2 =	sadd.s32 s2, s17  }
0x8e: {  	[smem:$0x3FC0] =	sst s2  }
0x8f: {  	_ = 	snop  }
0x90: {  	s2 =	sld [smem:$0x3FC9]  }
0x91: {  	s18 =	sld [smem:$0x3FC8];
	(tm) =	ssettm $0x1  }
0x92: {  	s4 =	sld [smem:$0x3FFB];
	_ =	sdelay $0x3  }
0x93: {  	_ =	strace s4  }
0x94: {  	s4 =	sld [smem:$0x3FFC];
	_ =	sdelay $0x3  }
0x95: {  	_ =	strace s4  }
0x96: {  	s4 =	sld [smem:$0x3FFD];
	_ =	sdelay $0x3  }
0x97: {  	_ =	strace s4  }
0x98: {  	_ =	strace $0x8FFFFFFF  }
0x99: {  	s19 =	sld [smem:$0x3FDB];
	_ =	sdelay $0x1  }
0x9a: {  	s5 =	simm.s32 $_scs_section_size  }
0x9b: {  	s6 =	simm.s32 $_size__tile_overlayer_lowered;
	s7 =	simm.s32 $_tile_overlayer_lowered  }
0x9c: {  	s22 =	simm.s32 $0x1BFF;
	s21 =	sshll.u32 s7, $0x1;
	s4 =	sadd.s32 s5, s19  }
0x9d: {  	s8 =	simm.s32 $0x0;
	s20 =	sshll.u32 s6, $0x1;
	s6 =	sadd.s32 s21, s4  }
0x9e: {  	[timem:s8], [sflag:s22] =	dma.local [hbm:s6], s20  }
0x9f: {  	_ =	swait.ge [sflag:s22], s20  }
0xa0: {  	s5 =	ssub.s32 $0x0, s20;
	[sflag:s22] =	ssyncset.done $0x0  }
0xa1: {  	[sflag:s22] =	ssyncadd.s32 s5;
	_ =	sdelay $0x1  }
0xa2: {  	s23 =	simm.s32 $0x1B8B  }
0xa3: {  	_ =	swait.ge [sflag:s23], $0x1  }
0xa4: {  	[sflag:s23] =	ssyncset.done $0x0  }
0xa5: {  	s25 =	simm.s32 $0x1B8E;
	s24 =	sld [smem:$0x3FFE];
	[sflag:s23] =	ssyncadd.s32 $0xFFFFFFFF  }
0xa6: {  	s26 =	simm.s32 $execute0_lowered;
	[smem:$0x3FD2] =	sst s25  }
0xa7: {  	s6 =	sshll.u32 s26, $0x1;
	_ =	strace $0x80000046;
	[dreg:$0x1] =	wrdreg $0xFFFFFFFF  }
0xa8: {  	s28 =	simm.s32 $_size_execute0_lowered;
	s4 =	sadd.s32 s4, s6;
	[dreg:$0x0] =	wrdreg $0x0  }
0xa9: {  	s6 =	sshll.u32 s28, $0x1;
	[dreg:$0x2] =	wrdreg s4  }
0xaa: {  	[dreg:$0x3] =	wrdreg s6  }
0xab: {  	[dreg:$0x4] =	wrdreg $0xC0  }
0xac: {  	_ =	task [dreg:s8], $0x5FFFF  }
0xad: {  	[dreg:$0x1] =	wrdreg $0xFFFFFFFF  }
0xae: {  	[dreg:$0x0] =	wrdreg $0x60  }
0xaf: {  	[dreg:$0x2] =	wrdreg s2  }
0xb0: {  	[dreg:$0x3] =	wrdreg s18  }
0xb1: {  	[dreg:$0x4] =	wrdreg s24  }
0xb2: {  	[dreg:$0x5] =	wrdreg $0x9  }
0xb3: {  	_ =	task.clear_ibuf [dreg:s8], $0x6FFFF;
	_ =	strace $0x90000046  }
0xb4: {  	s29 =	simm.s32 $0x9;
	_ =	strace $0x80000048  }
0xb5: {  	_ =	swait.ge [sflag:s29], $0x1  }
0xb6: {  	[sflag:s29] =	ssyncadd.s32 $0xFFFFFFFF  }
0xb7: {  	_ =	strace $0x90000048  }
0xb8: {  	_ =	sfence  }
0xb9: {  	s30 =	sld [smem:$0x0];
	_ =	sdelay $0x2  }
0xba: {  	s31 =	sshll.u32 s1, $0xD;
	s1 =	sshrl.u32 s1, $0x2  }
0xbb: {  	s3 =	sand.u32 $0x4000, s31;
	s1 =	sadd.s32 s1, s30  }
0xbc: {  	s0 =	sor.u32 s3, s0;
	s1 =	sshll.u32 s1, $0x11  }
0xbd: {  	s0 =	sor.u32 s1, s0  }
0xbe: {  	s0 =	sadd.s32 $0x8F2B, s0  }
0xbf: {  	[sflag:s0] =	ssyncadd.remote.s32 $0x1  }
0xc0: {  	_ =	sfence.sel $0xFFFF  }
0xc1: {  	[dreg:$0x0] =	wrdreg $0xFFFFFFFF;
	(pc) =	sbr.abs _section_cstart, $3  }
0xc2: {  	[dreg:$0x1] =	wrdreg $0xFFFFFFFF  }
0xc3: {  	_ =	task.clear_ibuf [dreg:s8], $0x2FFFF;
	_ =	strace $0x9FFFFFFF  }
0xc4: {  	(tm) =	ssettm $0x7FFFFFFF  }
0xc5: {  	_ =	shalt  }
tec
execute0_lowered:
.L_overlay_start_1:
0x0: {  	(tag) =	ssettag $0x1  }
0x1: {  	v0 =	vimm.s32 $0x1380  }
0x2: {  	vm14 =	vcmask $0x300;
	vm13 =	vcmask $0x704;
	vm10 =	vcmask $0xB08  }
0x3: {  	vm11 =	vcmask $0xF0C;
	vm12 =	vcmask $0x1310;
	vm9 =	vcmask $0x1714  }
0x4: {  	vm8 =	vcmask $0x1B18;
	vm7 =	vcmask $0x1F1C;
	vm6 =	vcmask $0x2320  }
0x5: {  	vm5 =	vcmask $0x2724;
	vm4 =	vcmask $0x2B28;
	vm3 =	vcmask $0x2F2C  }
0x6: {  	vm2 =	vcmask $0x3330;
	vm1 =	vcmask $0x3734;
	vm0 =	vcmask $0x3B38  }
0x7: {  	v4 =	vimm.s32 $0x3380;
	v5 =	vimm.s32 $0x5380;
	v6 =	vimm.s32 $0x7380  }
0x8: {  	v0 =	vsel vm14, $0x0, v0;
	v4 =	vsel vm14, $0x2000, v4;
	v5 =	vsel vm14, $0x4000, v5  }
0x9: {  	v6 =	vsel vm14, $0x6000, v6;
	v0 =	vsel vm13, $0x80, v0;
	v4 =	vsel vm13, $0x2080, v4  }
0xa: {  	v5 =	vsel vm13, $0x4080, v5;
	v6 =	vsel vm13, $0x6080, v6;
	v0 =	vsel vm10, $0x100, v0  }
0xb: {  	v4 =	vsel vm10, $0x2100, v4;
	v5 =	vsel vm10, $0x4100, v5;
	v6 =	vsel vm10, $0x6100, v6  }
0xc: {  	s1 =	srdreg.scid;
	s0 =	stileid.u32;
	v0 =	vsel vm11, $0x180, v0;
	v4 =	vsel vm11, $0x2180, v4;
	v5 =	vsel vm11, $0x4180, v5  }
0xd: {  	s6 =	sand.u32 $0x1, s1;
	s30 =	sshll.u32 s0, $0x1;
	v6 =	vsel vm11, $0x6180, v6;
	v0 =	vsel vm12, $0x200, v0;
	v4 =	vsel vm12, $0x2200, v4  }
0xe: {  	s2 =	sor.u32 s6, s30;
	v5 =	vsel vm12, $0x4200, v5;
	v6 =	vsel vm12, $0x6200, v6;
	v0 =	vsel vm9, $0x280, v0  }
0xf: {  	s1 =	smul.u32 $0x3D, s2;
	v4 =	vsel vm9, $0x2280, v4;
	v5 =	vsel vm9, $0x4280, v5;
	v6 =	vsel vm9, $0x6280, v6  }
0x10: {  	v0 =	vsel vm8, $0x300, v0;
	v4 =	vsel vm8, $0x2300, v4;
	v5 =	vsel vm8, $0x4300, v5  }
0x11: {  	p0 =	seq.s32 s2, $0x0;
	s1 =	sadd.s32 $0x1, s1;
	v6 =	vsel vm8, $0x6300, v6;
	v0 =	vsel vm7, $0x380, v0;
	v4 =	vsel vm7, $0x2380, v4  }
0x12: {  	s3 =	rddreg [dreg:$0x1];
	s1 =	simm.s32 @p0 $0x0;
	v5 =	vsel vm7, $0x4380, v5;
	v6 =	vsel vm7, $0x6380, v6;
	v0 =	vsel vm6, $0x1000, v0  }
0x13: {  	s7 =	rddreg [dreg:$0x2];
	s2 =	smul.u32 $0x7A00, s2;
	s8 =	sshll.u32 s1, $0x9;
	v4 =	vsel vm6, $0x3000, v4;
	v5 =	vsel vm6, $0x5000, v5;
	v6 =	vsel vm6, $0x7000, v6  }
0x14: {  	s4 =	rddreg [dreg:$0x3];
	s12 =	simm.s32 $0x7A1400;
	v1 =	vsel vm5, $0x1080, v0;
	v0 =	vmov s8;
	v4 =	vsel vm5, $0x3080, v4  }
0x15: {  	s5 =	simm.s32 $0x0;
	s13 =	simm.s32 $0xC100;
	s2 =	sadd.s32 $0x7C00, s2;
	v5 =	vsel vm5, $0x5080, v5;
	v6 =	vsel vm5, $0x7080, v6;
	v2 =	vsel vm4, $0x1100, v1  }
0x16: {  	s14 =	simm.s32 $0x14100;
	s15 =	simm.s32 $0x4;
	s16 =	simm.s32 $0x1;
	v1 =	vmov s2;
	v4 =	vsel vm4, $0x3100, v4;
	v5 =	vsel vm4, $0x5100, v5  }
0x17: {  	s17 =	simm.s32 $0x1C100;
	s18 =	simm.s32 $0x1C180;
	s19 =	simm.s32 $0x1C200;
	v6 =	vsel vm4, $0x7100, v6;
	v3 =	vsel vm3, $0x1180, v2;
	v2 =	vlaneseq.u32  }
0x18: {  	s20 =	simm.s32 $0x3;
	s21 =	simm.s32 $0x0;
	s9 =	ssub.s32 $0x2, s6;
	v4 =	vsel vm3, $0x3180, v4;
	v5 =	vsel vm3, $0x5180, v5;
	v6 =	vsel vm3, $0x7180, v6  }
.Ltmp0:
0x19: {  	[smem:$0x7FF] =	sst s5;
	s10 =	sshrl.u32 s9, $0x1;
	v3 =	vsel vm2, $0x1200, v3;
	v4 =	vsel vm2, $0x3200, v4;
	v5 =	vsel vm2, $0x5200, v5;
	(pc) =	sbr.rel .LBB2_1-.Ltmp0, $4  }
0x1a: {  	s6 =	sadd.s32 $0x1400, s7;
	s7 =	simm.s32 $0x3E;
	s10 =	ssub.s32 s9, s10;
	v8 =	vsel vm2, $0x7200, v6;
	v9 =	vor.u32 $0x30, v2;
	v3 =	vsel vm1, $0x1280, v3  }
0x1b: {  	s7 =	simm.s32 @!p0 $0x3D;
	s31 =	sand.u32 $0x1FFFFE00, s8;
	s11 =	sadd.s32 s8, s3;
	v4 =	vsel vm1, $0x3280, v4;
	v7 =	vsel vm1, $0x5280, v5;
	v5 =	vor.u32 $0x10, v2  }
0x1c: {  	s10 =	smax.u32 s10, $0x1;
	s9 =	sadd.s32 $0x200, s11;
	s11 =	simm.s32 $0x1000;
	v8 =	vsel vm1, $0x7280, v8;
	v3 =	vsel vm0, $0x1300, v3;
	v4 =	vsel vm0, $0x3300, v4  }
0x1d: {  	s8 =	sadd.s32 s3, s31;
	s2 =	rddreg [dreg:$0x0];
	_ =	strace $0x80000047;
	v6 =	vsel vm0, $0x5300, v7;
	v7 =	vor.u32 $0x20, v2;
	v8 =	vsel vm0, $0x7300, v8  }
.LBB2_29:
0x1e: {  	s21 =	sadd.s32 $0x1, s21  }
0x1f: {  	p0 =	sne.s32 s21, s10  }
.Ltmp1:
0x20: {  	_ = 	snop;
	(pc) =	sbr.rel @!p0 .LBB2_30-.Ltmp1, $1  }
0x21: {  	_ =	sdelay $0x3  }
.LBB2_1:
0x22: {  	[tilespmem:s13], [sflag:$0x1] =	stream.strided.gather [hbm4b:s8+s11], $0x8000, s12, s11, $0x38;
	[tilespmem:$0x1CA00] =	vst v63  }
0x23: {  	_ = 	snop  }
0x24: {  	[tilespmem:s14], [sflag:$0x2] =	stream.strided.gather [hbm4b:s9+s11], $0x8000, s12, s11, $0x38;
	[tilespmem:$0x1CA00] =	vst v63  }
0x25: {  	_ = 	snop  }
0x26: {  	[tilespmem:s5], [sflag:$0x4] =	stream.linear.gather [hbm4b:s2+s5], $0x4000, $0x38;
	[tilespmem:$0x1CA00] =	vst v63  }
0x27: {  	_ =	swait.ge [sflag:s15], $0x4000  }
0x28: {  	[sflag:s15] =	ssyncset.done $0x0  }
0x29: {  	s22 =	simm.s32 $0x20;
	[sflag:s15] =	ssyncadd.s32 $0xFFFFC000  }
0x2a: {  	v11 =	vld [tilespmem:s22+$0xFFFFFFE0];
	_ =	sdelay $0x4  }
0x2b: {  	v12 =	vld [tilespmem:s22+$0xFFFFFFF0];
	vm0 =	vge.s32 v11, v0;
	vm1 =	vlt.s32 v11, v1  }
0x2c: {  	v13 =	vld [tilespmem:s22+$0x0];
	vm0 =	vmand vm0, vm1  }
0x2d: {  	v10 =	vmpcnt.ones.xlane vm0;
	_ =	sdelay $0x1  }
0x2e: {  	(v2sf) =	vpush v10, $0x0  }
0x2f: {  	vm2 =	vlt.s32 v12, v1;
	vm1 =	vge.s32 v12, v0  }
0x30: {  	vm3 =	vlt.s32 v13, v1;
	vm1 =	vmand vm1, vm2;
	vm2 =	vge.s32 v13, v0  }
0x31: {  	v14 =	vmpcnt.ones.xlane vm1;
	vm2 =	vmand vm2, vm3  }
0x32: {  	v10 =	vmpcnt.ones.xlane vm2  }
0x33: {  	(v2sf) =	vpush v14, $0x0  }
0x34: {  	(v2sf) =	vpush v10, $0x0;
	v10 =	vld [tilespmem:s22+$0x10];
	_ =	sdelay $0x4  }
0x35: {  	[tilespmem:s5+$0x4000] =	vst.msk vm0, v11;
	v11 =	vor.u32 s5, v2;
	vm3 =	vge.s32 v10, v0;
	vm4 =	vlt.s32 v10, v1  }
0x36: {  	[tilespmem:s5+$0x8080] =	vst.msk vm0, v11;
	vm0 =	vmand vm3, vm4  }
0x37: {  	v63 =	vmpcnt.ones.xlane vm0;
	_ =	sdelay $0x1  }
0x38: {  	s23 =	spop (v2sf);
	(v2sf) =	vpush v63, $0x0;
	_ =	sdelay $0x9  }
0x39: {  	s24 =	simm.s32 $0x10;
	s23 =	sadd.s32 $0x0, s23  }
0x3a: {  	v11 =	vor.u32 s24, v2;
	s31 =	spop (v2sf);
	[tilespmem:s23+$0x4000] =	vst.msk vm1, v12  }
0x3b: {  	s25 =	simm.s32 $0x20;
	s24 =	sadd.s32 s23, s31;
	[tilespmem:s23+$0x8080] =	vst.msk vm1, v11  }
0x3c: {  	s26 =	spop (v2sf);
	v11 =	vor.u32 s25, v2;
	[tilespmem:s24+$0x4000] =	vst.msk vm2, v13  }
0x3d: {  	s23 =	simm.s32 $0x40;
	s25 =	simm.s32 $0x30;
	[tilespmem:s24+$0x8080] =	vst.msk vm2, v11;
	s24 =	sadd.s32 s24, s26  }
.LBB2_2:
0x3e: {  	p0 =	sne.s32 s23, $0x3FC0;
	[tilespmem:s24+$0x4000] =	vst.msk vm0, v10;
	v10 =	vor.u32 s25, v2;
	s22 =	sadd.s32 $0x40, s22;
	s25 =	spop (v2sf)  }
0x3f: {  	[tilespmem:s24+$0x8080] =	vst.msk vm0, v10;
	s25 =	sadd.s32 s24, s25;
	s24 =	smov.u32 s23;
	s23 =	sadd.s32 $0x40, s23  }
0x40: {  	v11 =	vld [tilespmem:s22+$0xFFFFFFE0]  }
0x41: {  	v12 =	vld [tilespmem:s22+$0xFFFFFFF0];
	_ =	sdelay $0x1  }
0x42: {  	v13 =	vld [tilespmem:s22+$0x0];
	_ =	sdelay $0x1  }
0x43: {  	vm0 =	vge.s32 v11, v0;
	vm1 =	vlt.s32 v11, v1;
	v10 =	vld [tilespmem:s22+$0x10]  }
0x44: {  	vm3 =	vmand vm0, vm1;
	vm0 =	vge.s32 v12, v0;
	vm1 =	vlt.s32 v12, v1  }
0x45: {  	v14 =	vmpcnt.ones.xlane vm3;
	vm1 =	vmand vm0, vm1  }
0x46: {  	v15 =	vmpcnt.ones.xlane vm1;
	vm0 =	vge.s32 v13, v0  }
0x47: {  	vm2 =	vlt.s32 v13, v1;
	(v2sf) =	vpush v14, $0x0  }
0x48: {  	vm2 =	vmand vm0, vm2;
	vm0 =	vge.s32 v10, v0;
	(v2sf) =	vpush v15, $0x0  }
0x49: {  	v14 =	vmpcnt.ones.xlane vm2;
	vm4 =	vlt.s32 v10, v1  }
0x4a: {  	vm0 =	vmand vm0, vm4  }
0x4b: {  	v15 =	vmpcnt.ones.xlane vm0;
	(v2sf) =	vpush v14, $0x0;
	_ =	sdelay $0x1  }
0x4c: {  	(v2sf) =	vpush v15, $0x0;
	_ =	sdelay $0x8  }
0x4d: {  	s26 =	sadd.s32 $0x10, s24;
	[tilespmem:s25+$0x4000] =	vst.msk vm3, v11;
	v11 =	vor.u32 s24, v2;
	s28 =	spop (v2sf)  }
.Ltmp2:
0x4e: {  	[tilespmem:s25+$0x8080] =	vst.msk vm3, v11;
	s25 =	sadd.s32 s25, s28;
	v11 =	vor.u32 s26, v2;
	s26 =	spop (v2sf);
	(pc) =	sbr.rel @p0 .LBB2_2-.Ltmp2, $4  }
0x4f: {  	[tilespmem:s25+$0x4000] =	vst.msk vm1, v12;
	s26 =	sadd.s32 s25, s26  }
0x50: {  	s28 =	sadd.s32 $0x20, s24;
	[tilespmem:s25+$0x8080] =	vst.msk vm1, v11  }
0x51: {  	v11 =	vor.u32 s28, v2;
	[tilespmem:s26+$0x4000] =	vst.msk vm2, v13;
	s28 =	spop (v2sf)  }
0x52: {  	s25 =	sadd.s32 $0x30, s24;
	[tilespmem:s26+$0x8080] =	vst.msk vm2, v11;
	s24 =	sadd.s32 s26, s28  }
0x53: {  	s22 =	spop (v2sf)  }
0x54: {  	s23 =	sadd.s32 s24, s22  }
0x55: {  	s22 =	sadd.s32 $0xF, s23  }
0x56: {  	s26 =	sand.u32 $0xF, s22  }
0x57: {  	s31 =	sshra.s32 s22, $0x1F;
	p1 =	slt.s32 s22, $0x1;
	p0 =	sne.s32 s26, $0x0  }
.Ltmp3:
0x58: {  	s26 =	sshrl.u32 s31, $0x1C;
	p0 =	por !p1, !p0;
	(pc) =	sbr.rel .LBB2_4-.Ltmp3, $4  }
0x59: {  	s22 =	sadd.s32 s26, s22;
	s26 =	simm.s32 $0x1;
	p0 =	por !p0, !p0  }
0x5a: {  	s22 =	sshra.s32 s22, $0x4;
	s26 =	simm.s32 @!p0 $0x0  }
0x5b: {  	v11 =	vor.u32 s25, v2;
	[tilespmem:s24+$0x4000] =	vst.msk vm0, v10;
	s22 =	ssub.s32 s22, s26  }
0x5c: {  	[tilespmem:s24+$0x8080] =	vst.msk vm0, v11;
	v10 =	vmov s23;
	s23 =	simm.s32 $0x0;
	p0 =	slt.s32 s22, $0x1  }
.LBB2_28:
0x5d: {  	s24 =	sadd.s32 $0x3, s24  }
0x5e: {  	p1 =	sge.u32 s24, s7  }
0x5f: {  	s24 =	sadd.s32 @!p1 s1, s24  }
0x60: {  	s23 =	sadd.s32 $0x1, s23;
	s25 =	simm.s32 @!p1 $0x1000;
	s24 =	sshll.u32 @!p1 s24, $0x9  }
0x61: {  	s26 =	simm.s32 @!p1 $0x7A1400;
	s28 =	simm.s32 @!p1 $0x14100;
	s24 =	sadd.s32 @!p1 s3, s24  }
0x62: {  	[tilespmem:s28], [sflag:$0x2] =	stream.strided.gather @!p1 [hbm4b:s24+s25], $0x8000, s26, s25, $0x38;
	[tilespmem:$0x1CA00] =	vst v63  }
0x63: {  	p1 =	sne.s32 s23, $0x1F  }
.Ltmp4:
0x64: {  	_ = 	snop;
	(pc) =	sbr.rel @!p1 .LBB2_29-.Ltmp4, $1  }
0x65: {  	_ =	sdelay $0x3  }
.LBB2_4:
.Ltmp5:
0x66: {  	(pc) =	sbr.rel @p0 .LBB2_16-.Ltmp5, $4  }
0x67: {  	_ = 	snop  }
0x68: {  	_ =	swait.ge [sflag:s16], $0x8000  }
0x69: {  	[sflag:s16] =	ssyncset.done $0x0  }
0x6a: {  	s24 =	sshll.u32 s23, $0x1;
	[sflag:s16] =	ssyncadd.s32 $0xFFFF8000  }
.Ltmp6:
0x6b: {  	(pc) =	sbr.rel .LBB2_6-.Ltmp6, $4  }
0x6c: {  	s25 =	sadd.s32 s1, s24  }
0x6d: {  	s25 =	sshll.u32 s25, $0x9  }
0x6e: {  	s26 =	sadd.s32 $0x200, s25  }
0x6f: {  	v11 =	vmov s25;
	s25 =	simm.s32 $0x0;
	v12 =	vmov s26  }
.LBB2_14:
0x70: {  	[sflag:s20] =	ssyncadd.s32 $0xFFFFFF80  }
.LBB2_15:
0x71: {  	s25 =	sadd.s32 $0x1, s25  }
0x72: {  	p1 =	sne.s32 s25, s22  }
.Ltmp7:
0x73: {  	_ = 	snop;
	(pc) =	sbr.rel @!p1 .LBB2_16-.Ltmp7, $1  }
0x74: {  	_ =	sdelay $0x3  }
.LBB2_6:
0x75: {  	s28 =	sshll.u32 s25, $0x4  }
0x76: {  	v13 =	vld [tilespmem:s28+$0x4000];
	_ =	sdelay $0x3  }
0x77: {  	v14 =	vor.u32 s28, v2  }
0x78: {  	vm0 =	vlt.s32 v14, v10;
	vm1 =	vlt.s32 v13, v12  }
0x79: {  	vm2 =	vge.s32 v13, v11;
	vm0 =	vmand vm1, vm0  }
0x7a: {  	vm0 =	vmand vm0, vm2  }
0x7b: {  	v14 =	vmpcnt.ones.xlane vm0;
	_ =	sdelay $0x1  }
0x7c: {  	(v2sf) =	vpush v14, $0x0;
	_ =	sdelay $0xe  }
0x7d: {  	s26 =	spop (v2sf)  }
0x7e: {  	p1 =	slt.s32 s26, $0x1  }
.Ltmp8:
0x7f: {  	_ = 	snop;
	(pc) =	sbr.rel @p1 .LBB2_15-.Ltmp8, $1  }
0x80: {  	_ =	sdelay $0x3  }
0x81: {  	v14 =	vld [tilespmem:s28+$0x8080];
	s28 =	simm.s32 $0x0  }
0x82: {  	v15 =	vmov s28;
	_ =	sdelay $0x2  }
0x83: {  	[tilespmem:s17+$0x0] =	vst.msk vm0, v13  }
0x84: {  	[tilespmem:s18+$0x0] =	vst.msk vm0, v14  }
0x85: {  	v13 =	vld.idx.msk [tilespmem:v15+s17+$0x0], $0xffff;
	_ =	sdelay $0x4  }
0x86: {  	v14 =	vsub.s32 v13, v11  }
0x87: {  	v14 =	vshll.u32 v14, $0x3  }
0x88: {  	v13 =	vand.u32 $0x7F, v13;
	v14 =	vand.u32 $0xFFFFFC00, v14  }
0x89: {  	v13 =	vor.u32 v13, v14  }
0x8a: {  	v14 =	vadd.s32 v3, v13;
	_ =	sdelay $0x3  }
0x8b: {  	v16 =	vshll.u32 v15, $0x7  }
0x8c: {  	v17 =	vor.u32 v2, v16;
	v14 =	vld.idx.msk [tilespmem:v14+s13+$0x0], $0xffff  }
0x8d: {  	v18 =	vadd.s32 v4, v13;
	_ =	sdelay $0x3  }
0x8e: {  	v15 =	vld.idx.msk [tilespmem:v15+s18+$0x0], $0xffff;
	[tilespmem:v17+s19+$0x0] =	vst.idx.msk $0xffff, v14  }
0x8f: {  	v61 =	vor.u32 v5, v16;
	v14 =	vld.idx.msk [tilespmem:v18+s13+$0x0], $0xffff  }
0x90: {  	v62 =	vadd.s32 v6, v13;
	_ =	sdelay $0x3  }
0x91: {  	[tilespmem:v61+s19+$0x0] =	vst.idx.msk $0xffff, v14  }
0x92: {  	v63 =	vor.u32 v7, v16;
	v14 =	vld.idx.msk [tilespmem:v62+s13+$0x0], $0xffff  }
0x93: {  	p2 =	sne.s32 s26, $0x1;
	v13 =	vadd.s32 v8, v13  }
.Ltmp9:
0x94: {  	_ = 	snop;
	(pc) =	sbr.rel @!p2 .LBB2_8-.Ltmp9, $3  }
0x95: {  	_ =	sdelay $0x1  }
0x96: {  	[tilespmem:v63+s19+$0x0] =	vst.idx.msk $0xffff, v14  }
0x97: {  	s29 =	simm.s32 $0x1;
	p1 =	por $0x0, $0x0;
	s28 =	simm.s32 $0x1C200;
	(v2sf) =	vpush v15, $0x0;
	v14 =	vor.u32 v9, v16;
	v13 =	vld.idx.msk [tilespmem:v13+s13+$0x0], $0xffff  }
0x98: {  	_ =	sdelay $0xd  }
0x99: {  	v15 =	vmov s29;
	s29 =	spop (v2sf)  }
0x9a: {  	s29 =	sshll.u32 s29, $0x4  }
0x9b: {  	s29 =	sand.u32 $0x1FFFFFF0, s29  }
0x9c: {  	[tilespmem:v14+s19+$0x0] =	vst.idx.msk $0xffff, v13;
	s29 =	sadd.s32 s6, s29  }
0x9d: {  	[hbm4b:s29+s5] =	stream.linear.scatter [tilespmem:s28], [sflag:$0x3], $0x80, $0x38;
	[tilespmem:$0x1CA00] =	vst v63  }
0x9e: {  	v13 =	vld.idx.msk [tilespmem:v15+s17+$0x0], $0xffff;
	_ =	sdelay $0x4  }
0x9f: {  	v14 =	vsub.s32 v13, v11  }
0xa0: {  	v14 =	vshll.u32 v14, $0x3  }
0xa1: {  	v13 =	vand.u32 $0x7F, v13;
	v14 =	vand.u32 $0xFFFFFC00, v14  }
0xa2: {  	v13 =	vor.u32 v13, v14  }
0xa3: {  	v14 =	vadd.s32 v3, v13;
	_ =	sdelay $0x3  }
0xa4: {  	v16 =	vshll.u32 v15, $0x7;
	v15 =	vld.idx.msk [tilespmem:v15+s18+$0x0], $0xffff  }
0xa5: {  	v17 =	vor.u32 v2, v16;
	v14 =	vld.idx.msk [tilespmem:v14+s13+$0x0], $0xffff  }
0xa6: {  	v18 =	vadd.s32 v4, v13;
	_ =	sdelay $0x2  }
0xa7: {  	(v2sf) =	vpush v15, $0x0  }
0xa8: {  	[tilespmem:v17+s19+$0x0] =	vst.idx.msk $0xffff, v14  }
0xa9: {  	v61 =	vor.u32 v5, v16;
	v14 =	vld.idx.msk [tilespmem:v18+s13+$0x0], $0xffff  }
0xaa: {  	v62 =	vadd.s32 v6, v13;
	_ =	sdelay $0x3  }
0xab: {  	[tilespmem:v61+s19+$0x0] =	vst.idx.msk $0xffff, v14  }
0xac: {  	v63 =	vor.u32 v7, v16;
	v14 =	vld.idx.msk [tilespmem:v62+s13+$0x0], $0xffff  }
0xad: {  	p2 =	sne.s32 s26, $0x2;
	v13 =	vadd.s32 v8, v13  }
.Ltmp10:
0xae: {  	_ = 	snop;
	(pc) =	sbr.rel @!p2 .LBB2_10-.Ltmp10, $3  }
0xaf: {  	_ =	sdelay $0x1  }
0xb0: {  	[tilespmem:v63+s19+$0x0] =	vst.idx.msk $0xffff, v14  }
0xb1: {  	s30 =	simm.s32 $0x2;
	p1 =	por $0x1, $0x1;
	s29 =	simm.s32 $0x1C200;
	v14 =	vor.u32 v9, v16;
	v13 =	vld.idx.msk [tilespmem:v13+s13+$0x0], $0xffff  }
.LBB2_11:
0xb2: {  	v15 =	vmov s30;
	s30 =	sadd.s32 $0x1, s30;
	s31 =	spop (v2sf)  }
0xb3: {  	p2 =	sne.s32 s26, s30;
	s31 =	sshll.u32 s31, $0x4  }
0xb4: {  	s31 =	sand.u32 $0x1FFFFFF0, s31  }
0xb5: {  	s29 =	sadd.s32 $0x80, s29;
	s31 =	sadd.s32 s6, s31  }
0xb6: {  	[tilespmem:v14+s19+$0x0] =	vst.idx.msk $0xffff, v13;
	[hbm4b:s31+s5] =	stream.linear.scatter [tilespmem:s29], [sflag:$0x3], $0x80, $0x38  }
0xb7: {  	v13 =	vld.idx.msk [tilespmem:v15+s17+$0x0], $0xffff  }
0xb8: {  	v14 =	vld.idx.msk [tilespmem:v15+s18+$0x0], $0xffff;
	_ =	sdelay $0x4  }
0xb9: {  	v16 =	vsub.s32 v13, v11  }
0xba: {  	v16 =	vshll.u32 v16, $0x3  }
0xbb: {  	v13 =	vand.u32 $0x7F, v13;
	v16 =	vand.u32 $0xFFFFFC00, v16  }
0xbc: {  	v13 =	vor.u32 v13, v16  }
0xbd: {  	v16 =	vadd.s32 v3, v13;
	_ =	sdelay $0x4  }
0xbe: {  	v15 =	vshll.u32 v15, $0x7;
	v16 =	vld.idx.msk [tilespmem:v16+s13+$0x0], $0xffff  }
0xbf: {  	v17 =	vor.u32 v2, v15  }
0xc0: {  	v18 =	vadd.s32 v4, v13;
	_ =	sdelay $0x3  }
0xc1: {  	[tilespmem:v17+s19+$0x0] =	vst.idx.msk $0xffff, v16  }
0xc2: {  	v16 =	vld.idx.msk [tilespmem:v18+s13+$0x0], $0xffff  }
0xc3: {  	v17 =	vor.u32 v5, v15;
	(v2sf) =	vpush v14, $0x0  }
0xc4: {  	v14 =	vadd.s32 v6, v13;
	_ =	sdelay $0x3  }
0xc5: {  	[tilespmem:v17+s19+$0x0] =	vst.idx.msk $0xffff, v16  }
0xc6: {  	v14 =	vld.idx.msk [tilespmem:v14+s13+$0x0], $0xffff  }
0xc7: {  	v16 =	vor.u32 v7, v15  }
0xc8: {  	v13 =	vadd.s32 v8, v13;
	_ =	sdelay $0x1  }
.Ltmp11:
0xc9: {  	(pc) =	sbr.rel @p2 .LBB2_11-.Ltmp11, $4  }
0xca: {  	_ = 	snop  }
0xcb: {  	[tilespmem:v16+s19+$0x0] =	vst.idx.msk $0xffff, v14  }
0xcc: {  	v13 =	vld.idx.msk [tilespmem:v13+s13+$0x0], $0xffff  }
0xcd: {  	v14 =	vor.u32 v9, v15  }
.LBB2_12:
0xce: {  	_ = 	snop  }
0xcf: {  	s30 =	spop (v2sf);
	s29 =	sadd.s32 @p1 $0x80, s29  }
0xd0: {  	s30 =	sshll.u32 s30, $0x4;
	s28 =	smov.u32 @p1 s29;
	p1 =	sne.s32 s26, $0x1  }
.Ltmp12:
0xd1: {  	s30 =	sand.u32 $0x1FFFFFF0, s30;
	(pc) =	sbr.rel @!p1 .LBB2_14-.Ltmp12, $4  }
0xd2: {  	s30 =	sadd.s32 s6, s30;
	[tilespmem:v14+s19+$0x0] =	vst.idx.msk $0xffff, v13  }
0xd3: {  	[hbm4b:s30+s5] =	stream.linear.scatter [tilespmem:s28], [sflag:$0x3], $0x80, $0x38;
	[tilespmem:$0x1CA00] =	vst v63  }
0xd4: {  	_ =	swait.ge [sflag:s20], $0x80  }
0xd5: {  	s26 =	sadd.s32 $0xFFFFFFFF, s26;
	[sflag:s20] =	ssyncset.done $0x0  }
.LBB2_13:
0xd6: {  	p1 =	sne.s32 s26, $0x1;
	s26 =	sadd.s32 $0xFFFFFFFF, s26;
	[sflag:s20] =	ssyncadd.s32 $0xFFFFFF80  }
.Ltmp13:
0xd7: {  	(pc) =	sbr.rel @p1 .LBB2_13-.Ltmp13, $3  }
0xd8: {  	_ =	sdelay $0x1  }
0xd9: {  	_ =	swait.ge [sflag:s20], $0x80  }
0xda: {  	[sflag:s20] =	ssyncset.done $0x0  }
.Ltmp14:
0xdb: {  	_ = 	snop;
	(pc) =	sbr.rel .LBB2_14-.Ltmp14, $1  }
0xdc: {  	_ =	sdelay $0x3  }
.LBB2_8:
.Ltmp15:
0xdd: {  	(pc) =	sbr.rel .LBB2_12-.Ltmp15, $2  }
0xde: {  	_ =	sdelay $0x2  }
0xdf: {  	s29 =	simm.s32 $0x1C200  }
.LBB2_10:
.Ltmp16:
0xe0: {  	(pc) =	sbr.rel .LBB2_12-.Ltmp16, $2  }
0xe1: {  	_ =	sdelay $0x2  }
0xe2: {  	s29 =	simm.s32 $0x1C200  }
.LBB2_16:
0xe3: {  	s25 =	sadd.s32 $0x2, s24  }
0xe4: {  	p1 =	sge.u32 s25, s7  }
0xe5: {  	s25 =	sadd.s32 @!p1 s1, s25  }
0xe6: {  	s28 =	simm.s32 @!p1 $0x1000;
	s29 =	simm.s32 @!p1 $0x7A1400;
	s26 =	sshll.u32 @!p1 s25, $0x9  }
0xe7: {  	s30 =	simm.s32 @!p1 $0xC100;
	s25 =	sshllo.u32 s23, $0x1;
	s26 =	sadd.s32 @!p1 s3, s26  }
0xe8: {  	[tilespmem:s30], [sflag:$0x1] =	stream.strided.gather @!p1 [hbm4b:s26+s28], $0x8000, s29, s28, $0x38;
	[tilespmem:$0x1CA00] =	vst v63  }
0xe9: {  	p1 =	sge.u32 s25, s7  }
0xea: {  	p2 =	slt.s32 @!p1 s22, $0x1  }
0xeb: {  	p2 =	por p1, p2  }
.Ltmp17:
0xec: {  	_ = 	snop;
	(pc) =	sbr.rel @p2 .LBB2_28-.Ltmp17, $4  }
0xed: {  	s26 =	simm.s32 @!p1 $0x2  }
0xee: {  	_ =	swait.ge @!p1 [sflag:s26], $0x8000  }
0xef: {  	[sflag:s26] =	ssyncset.done @!p1 $0x0  }
0xf0: {  	[sflag:s26] =	ssyncadd.s32 @!p1 $0xFFFF8000  }
.Ltmp18:
0xf1: {  	(pc) =	sbr.rel .LBB2_18-.Ltmp18, $4  }
0xf2: {  	s25 =	sadd.s32 s1, s25  }
0xf3: {  	s25 =	sshll.u32 s25, $0x9  }
0xf4: {  	s26 =	sadd.s32 $0x200, s25  }
0xf5: {  	v11 =	vmov s25;
	s25 =	simm.s32 $0x0;
	v12 =	vmov s26  }
.LBB2_26:
0xf6: {  	[sflag:s20] =	ssyncadd.s32 $0xFFFFFF80  }
.LBB2_27:
0xf7: {  	s25 =	sadd.s32 $0x1, s25  }
0xf8: {  	p1 =	sne.s32 s25, s22  }
.Ltmp19:
0xf9: {  	_ = 	snop;
	(pc) =	sbr.rel @!p1 .LBB2_28-.Ltmp19, $1  }
0xfa: {  	_ =	sdelay $0x3  }
.LBB2_18:
0xfb: {  	s28 =	sshll.u32 s25, $0x4  }
0xfc: {  	v13 =	vld [tilespmem:s28+$0x4000];
	_ =	sdelay $0x3  }
0xfd: {  	v14 =	vor.u32 s28, v2  }
0xfe: {  	vm0 =	vlt.s32 v14, v10;
	vm1 =	vlt.s32 v13, v12  }
0xff: {  	vm2 =	vge.s32 v13, v11;
	vm0 =	vmand vm1, vm0  }
0x100: {  	vm0 =	vmand vm0, vm2  }
0x101: {  	v14 =	vmpcnt.ones.xlane vm0;
	_ =	sdelay $0x1  }
0x102: {  	(v2sf) =	vpush v14, $0x0;
	_ =	sdelay $0xe  }
0x103: {  	s26 =	spop (v2sf)  }
0x104: {  	p1 =	slt.s32 s26, $0x1  }
.Ltmp20:
0x105: {  	_ = 	snop;
	(pc) =	sbr.rel @p1 .LBB2_27-.Ltmp20, $1  }
0x106: {  	_ =	sdelay $0x3  }
0x107: {  	v14 =	vld [tilespmem:s28+$0x8080];
	s28 =	simm.s32 $0x0  }
0x108: {  	v15 =	vmov s28;
	_ =	sdelay $0x2  }
0x109: {  	[tilespmem:s17+$0x0] =	vst.msk vm0, v13  }
0x10a: {  	[tilespmem:s18+$0x0] =	vst.msk vm0, v14  }
0x10b: {  	v13 =	vld.idx.msk [tilespmem:v15+s17+$0x0], $0xffff;
	_ =	sdelay $0x4  }
0x10c: {  	v14 =	vsub.s32 v13, v11  }
0x10d: {  	v14 =	vshll.u32 v14, $0x3  }
0x10e: {  	v13 =	vand.u32 $0x7F, v13;
	v14 =	vand.u32 $0xFFFFFC00, v14  }
0x10f: {  	v13 =	vor.u32 v13, v14  }
0x110: {  	v14 =	vadd.s32 v3, v13;
	_ =	sdelay $0x3  }
0x111: {  	v16 =	vshll.u32 v15, $0x7  }
0x112: {  	v17 =	vor.u32 v2, v16;
	v14 =	vld.idx.msk [tilespmem:v14+s14+$0x0], $0xffff  }
0x113: {  	v18 =	vadd.s32 v4, v13;
	_ =	sdelay $0x3  }
0x114: {  	v15 =	vld.idx.msk [tilespmem:v15+s18+$0x0], $0xffff;
	[tilespmem:v17+s19+$0x0] =	vst.idx.msk $0xffff, v14  }
0x115: {  	v61 =	vor.u32 v5, v16;
	v14 =	vld.idx.msk [tilespmem:v18+s14+$0x0], $0xffff  }
0x116: {  	v62 =	vadd.s32 v6, v13;
	_ =	sdelay $0x3  }
0x117: {  	[tilespmem:v61+s19+$0x0] =	vst.idx.msk $0xffff, v14  }
0x118: {  	v63 =	vor.u32 v7, v16;
	v14 =	vld.idx.msk [tilespmem:v62+s14+$0x0], $0xffff  }
0x119: {  	p2 =	sne.s32 s26, $0x1;
	v13 =	vadd.s32 v8, v13  }
.Ltmp21:
0x11a: {  	_ = 	snop;
	(pc) =	sbr.rel @!p2 .LBB2_20-.Ltmp21, $3  }
0x11b: {  	_ =	sdelay $0x1  }
0x11c: {  	[tilespmem:v63+s19+$0x0] =	vst.idx.msk $0xffff, v14  }
0x11d: {  	s29 =	simm.s32 $0x1;
	p1 =	por $0x0, $0x0;
	s28 =	simm.s32 $0x1C200;
	(v2sf) =	vpush v15, $0x0;
	v14 =	vor.u32 v9, v16;
	v13 =	vld.idx.msk [tilespmem:v13+s14+$0x0], $0xffff  }
0x11e: {  	_ =	sdelay $0xd  }
0x11f: {  	v15 =	vmov s29;
	s29 =	spop (v2sf)  }
0x120: {  	s29 =	sshll.u32 s29, $0x4  }
0x121: {  	s29 =	sand.u32 $0x1FFFFFF0, s29  }
0x122: {  	[tilespmem:v14+s19+$0x0] =	vst.idx.msk $0xffff, v13;
	s29 =	sadd.s32 s6, s29  }
0x123: {  	[hbm4b:s29+s5] =	stream.linear.scatter [tilespmem:s28], [sflag:$0x3], $0x80, $0x38;
	[tilespmem:$0x1CA00] =	vst v63  }
0x124: {  	v13 =	vld.idx.msk [tilespmem:v15+s17+$0x0], $0xffff;
	_ =	sdelay $0x4  }
0x125: {  	v14 =	vsub.s32 v13, v11  }
0x126: {  	v14 =	vshll.u32 v14, $0x3  }
0x127: {  	v13 =	vand.u32 $0x7F, v13;
	v14 =	vand.u32 $0xFFFFFC00, v14  }
0x128: {  	v13 =	vor.u32 v13, v14  }
0x129: {  	v14 =	vadd.s32 v3, v13;
	_ =	sdelay $0x3  }
0x12a: {  	v16 =	vshll.u32 v15, $0x7;
	v15 =	vld.idx.msk [tilespmem:v15+s18+$0x0], $0xffff  }
0x12b: {  	v17 =	vor.u32 v2, v16;
	v14 =	vld.idx.msk [tilespmem:v14+s14+$0x0], $0xffff  }
0x12c: {  	v18 =	vadd.s32 v4, v13;
	_ =	sdelay $0x2  }
0x12d: {  	(v2sf) =	vpush v15, $0x0  }
0x12e: {  	[tilespmem:v17+s19+$0x0] =	vst.idx.msk $0xffff, v14  }
0x12f: {  	v61 =	vor.u32 v5, v16;
	v14 =	vld.idx.msk [tilespmem:v18+s14+$0x0], $0xffff  }
0x130: {  	v62 =	vadd.s32 v6, v13;
	_ =	sdelay $0x3  }
0x131: {  	[tilespmem:v61+s19+$0x0] =	vst.idx.msk $0xffff, v14  }
0x132: {  	v63 =	vor.u32 v7, v16;
	v14 =	vld.idx.msk [tilespmem:v62+s14+$0x0], $0xffff  }
0x133: {  	p2 =	sne.s32 s26, $0x2;
	v13 =	vadd.s32 v8, v13  }
.Ltmp22:
0x134: {  	_ = 	snop;
	(pc) =	sbr.rel @!p2 .LBB2_22-.Ltmp22, $3  }
0x135: {  	_ =	sdelay $0x1  }
0x136: {  	[tilespmem:v63+s19+$0x0] =	vst.idx.msk $0xffff, v14  }
0x137: {  	s30 =	simm.s32 $0x2;
	p1 =	por $0x1, $0x1;
	s29 =	simm.s32 $0x1C200;
	v14 =	vor.u32 v9, v16;
	v13 =	vld.idx.msk [tilespmem:v13+s14+$0x0], $0xffff  }
.LBB2_23:
0x138: {  	v15 =	vmov s30;
	s30 =	sadd.s32 $0x1, s30;
	s31 =	spop (v2sf)  }
0x139: {  	p2 =	sne.s32 s26, s30;
	s31 =	sshll.u32 s31, $0x4  }
0x13a: {  	s31 =	sand.u32 $0x1FFFFFF0, s31  }
0x13b: {  	s29 =	sadd.s32 $0x80, s29;
	s31 =	sadd.s32 s6, s31  }
0x13c: {  	[tilespmem:v14+s19+$0x0] =	vst.idx.msk $0xffff, v13;
	[hbm4b:s31+s5] =	stream.linear.scatter [tilespmem:s29], [sflag:$0x3], $0x80, $0x38  }
0x13d: {  	v13 =	vld.idx.msk [tilespmem:v15+s17+$0x0], $0xffff  }
0x13e: {  	v14 =	vld.idx.msk [tilespmem:v15+s18+$0x0], $0xffff;
	_ =	sdelay $0x4  }
0x13f: {  	v16 =	vsub.s32 v13, v11  }
0x140: {  	v16 =	vshll.u32 v16, $0x3  }
0x141: {  	v13 =	vand.u32 $0x7F, v13;
	v16 =	vand.u32 $0xFFFFFC00, v16  }
0x142: {  	v13 =	vor.u32 v13, v16  }
0x143: {  	v16 =	vadd.s32 v3, v13;
	_ =	sdelay $0x4  }
0x144: {  	v15 =	vshll.u32 v15, $0x7;
	v16 =	vld.idx.msk [tilespmem:v16+s14+$0x0], $0xffff  }
0x145: {  	v17 =	vor.u32 v2, v15  }
0x146: {  	v18 =	vadd.s32 v4, v13;
	_ =	sdelay $0x3  }
0x147: {  	[tilespmem:v17+s19+$0x0] =	vst.idx.msk $0xffff, v16  }
0x148: {  	v16 =	vld.idx.msk [tilespmem:v18+s14+$0x0], $0xffff  }
0x149: {  	v17 =	vor.u32 v5, v15;
	(v2sf) =	vpush v14, $0x0  }
0x14a: {  	v14 =	vadd.s32 v6, v13;
	_ =	sdelay $0x3  }
0x14b: {  	[tilespmem:v17+s19+$0x0] =	vst.idx.msk $0xffff, v16  }
0x14c: {  	v14 =	vld.idx.msk [tilespmem:v14+s14+$0x0], $0xffff  }
0x14d: {  	v16 =	vor.u32 v7, v15  }
0x14e: {  	v13 =	vadd.s32 v8, v13;
	_ =	sdelay $0x1  }
.Ltmp23:
0x14f: {  	(pc) =	sbr.rel @p2 .LBB2_23-.Ltmp23, $4  }
0x150: {  	_ = 	snop  }
0x151: {  	[tilespmem:v16+s19+$0x0] =	vst.idx.msk $0xffff, v14  }
0x152: {  	v13 =	vld.idx.msk [tilespmem:v13+s14+$0x0], $0xffff  }
0x153: {  	v14 =	vor.u32 v9, v15  }
.LBB2_24:
0x154: {  	_ = 	snop  }
0x155: {  	s30 =	spop (v2sf);
	s29 =	sadd.s32 @p1 $0x80, s29  }
0x156: {  	s30 =	sshll.u32 s30, $0x4;
	s28 =	smov.u32 @p1 s29;
	p1 =	sne.s32 s26, $0x1  }
.Ltmp24:
0x157: {  	s30 =	sand.u32 $0x1FFFFFF0, s30;
	(pc) =	sbr.rel @!p1 .LBB2_26-.Ltmp24, $4  }
0x158: {  	s30 =	sadd.s32 s6, s30;
	[tilespmem:v14+s19+$0x0] =	vst.idx.msk $0xffff, v13  }
0x159: {  	[hbm4b:s30+s5] =	stream.linear.scatter [tilespmem:s28], [sflag:$0x3], $0x80, $0x38;
	[tilespmem:$0x1CA00] =	vst v63  }
0x15a: {  	_ =	swait.ge [sflag:s20], $0x80  }
0x15b: {  	s26 =	sadd.s32 $0xFFFFFFFF, s26;
	[sflag:s20] =	ssyncset.done $0x0  }
.LBB2_25:
0x15c: {  	p1 =	sne.s32 s26, $0x1;
	s26 =	sadd.s32 $0xFFFFFFFF, s26;
	[sflag:s20] =	ssyncadd.s32 $0xFFFFFF80  }
.Ltmp25:
0x15d: {  	(pc) =	sbr.rel @p1 .LBB2_25-.Ltmp25, $3  }
0x15e: {  	_ =	sdelay $0x1  }
0x15f: {  	_ =	swait.ge [sflag:s20], $0x80  }
0x160: {  	[sflag:s20] =	ssyncset.done $0x0  }
.Ltmp26:
0x161: {  	_ = 	snop;
	(pc) =	sbr.rel .LBB2_26-.Ltmp26, $1  }
0x162: {  	_ =	sdelay $0x3  }
.LBB2_20:
.Ltmp27:
0x163: {  	(pc) =	sbr.rel .LBB2_24-.Ltmp27, $2  }
0x164: {  	_ =	sdelay $0x2  }
0x165: {  	s29 =	simm.s32 $0x1C200  }
.LBB2_22:
.Ltmp28:
0x166: {  	(pc) =	sbr.rel .LBB2_24-.Ltmp28, $2  }
0x167: {  	_ =	sdelay $0x2  }
0x168: {  	s29 =	simm.s32 $0x1C200  }
.LBB2_30:
0x169: {  	_ =	sfence.sel $0x180000  }
0x16a: {  	[bflag:$0x0] =	sbarrier.arrive $0xFFFF  }
0x16b: {  	p0 =	sne.s32 s0, $0x0;
	_ =	strace $0x90000047  }
0x16c: {  	s0 =	sadd.s32 @!p0 $0x100000, s4;
	[bflag:$0x2] =	sbarrier.arrive $0xFFFF  }
0x16d: {  	[sflag:s0] =	ssyncadd.tile.s32 @!p0 $0x1;
	_ =	shalt  }
.Lfunc_end2:
_tile_overlayer_lowered:
.L_overlay_start_2:
0x16e: {  	(tag) =	ssettag $0x2  }
0x16f: {  	s0 =	rddreg [dreg:$0x0];
	s2 =	stileid.u32  }
0x170: {  	s1 =	rddreg [dreg:$0x1];
	p0 =	sne.s32 s2, $0x0  }
0x171: {  	s3 =	rddreg [dreg:$0x2];
	[bflag:$0x3] =	sbarrier.arrive $0xFFFF;
	s2 =	simm.s32 @!p0 $0x1C04  }
0x172: {  	[timem:s3], [sflag:s2] =	dma.local @!p0 [hbm:s0], s1  }
0x173: {  	s0 =	simm.s32 @!p0 $0x4  }
0x174: {  	_ =	swait.ge @!p0 [sflag:s0], s1  }
0x175: {  	s1 =	ssub.s32 @!p0 $0x0, s1;
	[sflag:s0] =	ssyncset.done @!p0 $0x0  }
0x176: {  	[sflag:s0] =	ssyncadd.s32 @!p0 s1  }
0x177: {  	[bflag:$0x3] =	sbarrier.arrive $0xFFFF  }
0x178: {  	_ =	shalt  }

</sc_bundles>
